<compile_context>
chip_gen: v7x
topology: tpu7x:2x2x1
jax: 0.10.2.dev20260603
libtpu: 0.0.44.dev20260713+nightly
codegen_flags: <defaults>
</compile_context>

<pallas_src>
import jax
import jax.numpy as jnp
from jax import lax
from jax.experimental import pallas as pl
from jax.experimental.pallas import tpu as pltpu
from jax.experimental.pallas import tpu_sc as plsc

_N = 10000
_E = 160000
_D = 256
_C = 40

_HALF = 5120
_NPAD = 2 * _HALF
_EPT = _E // 16
_K = 64
_SUB = _EPT
_SEL = _SUB + 4 * _K
_AGG_ROWS = 2 * _HALF + 256
_ZROWS = _AGG_ROWS // 16
_HROWS = 40


def _sc_body(x_hbm, src_hbm, dst_hbm, agg_hbm, deg_hbm,
             sel_src, sel_dst, cs0, cd0, idx48,
             rows0, hist, agg_sp, deg_sp, sem0):
    c = lax.axis_index("c")
    s = lax.axis_index("s")
    lo = c * _HALF

    zero16f = jnp.zeros((16,), jnp.float32)
    ones16f = jnp.ones((16,), jnp.float32)
    zero16i = jnp.zeros((16,), jnp.int32)
    iota16 = lax.iota(jnp.int32, 16)

    def _zh(i, carry):
        for j in range(128 // 16):
            hist[i, pl.ds(j * 16, 16)] = zero16f
        return carry
    lax.fori_loop(0, _HROWS, _zh, 0)

    @pl.when(s == 0)
    def _():
        pltpu.sync_copy(hist, deg_sp)

    def _zr(i, carry):
        for j in range(128 // 16):
            rows0[i, pl.ds(j * 16, 16)] = zero16f
        return carry
    lax.fori_loop(0, 2 * _K, _zr, 0)
    r0 = s * _ZROWS
    zero_dmas = [
        pltpu.async_copy(rows0, agg_sp.at[pl.ds(r0 + k * 2 * _K, 2 * _K)],
                         sem0)
        for k in range(_ZROWS // (2 * _K))
    ]
    zero_dmas.append(
        pltpu.async_copy(rows0.at[pl.ds(0, _ZROWS % (2 * _K))],
                         agg_sp.at[pl.ds(r0 + (_ZROWS // (2 * _K)) * 2 * _K,
                                         _ZROWS % (2 * _K))], sem0))

    e0 = s * _EPT
    dum_dst = jnp.full((16,), _HALF, jnp.int32)

    def _build(k, cs, cd):
        base = k * _K
        for j in range(_K // 16):
            sv = sel_src[pl.ds(base + j * 16, 16)]
            dv = sel_dst[pl.ds(base + j * 16, 16)]
            ii = iota16 * 2 + j * 32
            plsc.store_scatter(cs, [ii], sv * 2)
            plsc.store_scatter(cs, [ii + 1], sv * 2 + 1)
            plsc.store_scatter(cd, [ii], dv * 2)
            plsc.store_scatter(cd, [ii + 1], dv * 2 + 1)

    def _process(off, size):
        pltpu.sync_copy(src_hbm.at[pl.ds(e0 + off, size)],
                        sel_src.at[pl.ds(0, size)])
        pltpu.sync_copy(dst_hbm.at[pl.ds(e0 + off, size)],
                        sel_dst.at[pl.ds(0, size)])

        def _compact(g, cnt):
            dvec = sel_dst[pl.ds(g * 16, 16)]
            svec = sel_src[pl.ds(g * 16, 16)]
            local = dvec - lo
            mask = (local >= 0) & (local < _HALF)
            localc = jnp.clip(local, 0, _HALF - 1)
            plsc.addupdate_scatter(
                hist,
                [jnp.right_shift(localc, 7), jnp.bitwise_and(localc, 127)],
                ones16f, mask=mask)
            plsc.store_compressed(sel_dst.at[pl.ds(cnt, 16)], local, mask=mask)
            plsc.store_compressed(sel_src.at[pl.ds(cnt, 16)], svec, mask=mask)
            return cnt + jnp.sum(jnp.where(mask, 1, 0))
        cnt = lax.fori_loop(0, size // 16, _compact, jnp.int32(0))

        for j in range(4 * _K // 16):
            sel_src[pl.ds(cnt + j * 16, 16)] = zero16i
            sel_dst[pl.ds(cnt + j * 16, 16)] = dum_dst

        for d in zero_dmas:
            d.wait()
        plsc.subcore_barrier()

        nch = jnp.right_shift(cnt + (_K - 1), 6)

        def _chunk(k, carry):
            _build(k, cs0, cd0)
            pltpu.async_copy(x_hbm.at[cs0], rows0, sem0).wait()
            pltpu.sync_copy(rows0, agg_sp.at[cd0], add=True)
            return carry
        lax.fori_loop(0, nch, _chunk, 0)

    _process(0, _EPT)

    for j in range(_HROWS // 16):
        idx48[pl.ds(j * 16, 16)] = iota16 + j * 16
    idx48[pl.ds(_HROWS - 16, 16)] = iota16 + (_HROWS - 16)
    pltpu.sync_copy(hist, deg_sp.at[idx48], add=True)

    plsc.subcore_barrier()

    a0 = s * (2 * _HALF // 16)
    pltpu.sync_copy(agg_sp.at[pl.ds(a0, 2 * _HALF // 16)],
                    agg_hbm.at[pl.ds(2 * lo + a0, 2 * _HALF // 16)])

    @pl.when(s == 0)
    def _():
        pltpu.sync_copy(deg_sp, deg_hbm.at[pl.ds(c * _HROWS, _HROWS)])


def _sc_stage(x2, src, dst):
    mesh = plsc.VectorSubcoreMesh(core_axis_name="c", subcore_axis_name="s")
    return pl.kernel(
        _sc_body,
        out_type=[
            jax.ShapeDtypeStruct((2 * _NPAD, 128), jnp.float32),
            jax.ShapeDtypeStruct((2 * _HROWS, 128), jnp.float32),
        ],
        mesh=mesh,
        compiler_params=pltpu.CompilerParams(needs_layout_passes=False),
        scratch_types=[
            pltpu.VMEM((_SEL,), jnp.int32),
            pltpu.VMEM((_SEL,), jnp.int32),
            pltpu.VMEM((2 * _K,), jnp.int32),
            pltpu.VMEM((2 * _K,), jnp.int32),
            pltpu.VMEM((_HROWS,), jnp.int32),
            pltpu.VMEM((2 * _K, 128), jnp.float32),
            pltpu.VMEM((_HROWS, 128), jnp.float32),
            pltpu.VMEM_SHARED((_AGG_ROWS, 128), jnp.float32),
            pltpu.VMEM_SHARED((_HROWS, 128), jnp.float32),
            pltpu.SemaphoreType.DMA,
        ],
    )(x2, src, dst)


_BLK = 1024


def _xr_body(x_ref, wr_ref, xr_ref):
    xr_ref[:] = jnp.dot(x_ref[:], wr_ref[:], preferred_element_type=jnp.float32)


def _xr_stage(x, W_r):
    nblk = pl.cdiv(_N, _BLK)
    return pl.pallas_call(
        _xr_body,
        grid=(nblk,),
        in_specs=[
            pl.BlockSpec((_BLK, _D), lambda i: (i, 0)),
            pl.BlockSpec((_D, _D), lambda i: (0, 0)),
        ],
        out_specs=pl.BlockSpec((_BLK, _D), lambda i: (i, 0)),
        out_shape=jax.ShapeDtypeStruct((_N, _D), jnp.float32),
    )(x, W_r)


def _dense_body(agg_ref, deg_ref, xr_ref, bl_ref, wl_ref, wn_ref,
                out_ref, h_ref):
    a = agg_ref[:].reshape(_BLK, _D) / jnp.maximum(deg_ref[:], 1.0)
    h = (jnp.dot(a, wl_ref[:], preferred_element_type=jnp.float32)
         + bl_ref[:]
         + xr_ref[:])
    h_ref[:] = h
    rnorm = jnp.sqrt(jnp.sum(h * h, axis=1, keepdims=True))
    hn = h / jnp.maximum(rnorm, 1e-12)
    wn = wn_ref[:]
    cnorm = jnp.sqrt(jnp.sum(wn * wn, axis=0, keepdims=True))
    wn = wn / jnp.maximum(cnorm, 1e-12)
    out_ref[:] = 10.0 * jnp.dot(hn, wn, preferred_element_type=jnp.float32)


def _dense_stage(agg, deg, xr, W_l, b_l, W_n):
    nblk = pl.cdiv(_N, _BLK)
    return pl.pallas_call(
        _dense_body,
        grid=(nblk,),
        in_specs=[
            pl.BlockSpec((2 * _BLK, 128), lambda i: (i, 0)),
            pl.BlockSpec((_BLK, 1), lambda i: (i, 0)),
            pl.BlockSpec((_BLK, _D), lambda i: (i, 0)),
            pl.BlockSpec((1, _D), lambda i: (0, 0)),
            pl.BlockSpec((_D, _D), lambda i: (0, 0)),
            pl.BlockSpec((_D, _C), lambda i: (0, 0)),
        ],
        out_specs=[
            pl.BlockSpec((_BLK, _C), lambda i: (i, 0)),
            pl.BlockSpec((_BLK, _D), lambda i: (i, 0)),
        ],
        out_shape=[
            jax.ShapeDtypeStruct((_N, _C), jnp.float32),
            jax.ShapeDtypeStruct((_N, _D), jnp.float32),
        ],
    )(agg, deg, xr, b_l, W_l, W_n)


def kernel(x, edge_index, W_l, b_l, W_r, W_n):
    src = edge_index[0]
    dst = edge_index[1]
    agg_2d, deg_2d = _sc_stage(x.reshape(2 * _N, 128), src, dst)
    deg = deg_2d.reshape(_NPAD, 1)
    xr = _xr_stage(x, W_r)
    out, h = _dense_stage(agg_2d, deg, xr, W_l, b_l.reshape(1, _D), W_n)
    return (out, x, h)

# --- scband reference (transcript-rebuilt; emitter-appended) ---
"""Pipeline reference for scband-encoder-modi-1176821039647 (READ-ONLY COPY).

The authoritative reference and input builder live on the scoring server;
editing this copy changes nothing except your own understanding.
"""

import jax, jax.numpy as jnp
import numpy as np

N = 10000
E = 160000
D = 256
C = 40


def setup_inputs(seed: int = 0) -> dict:
    key = jax.random.key(seed)
    k1, k2, k3, k4, k5, k6 = jax.random.split(key, 6)
    x = jax.random.normal(k1, (N, D), dtype=jnp.float32)
    edge_index = jax.random.randint(k2, (2, E), 0, N, dtype=jnp.int32)
    # SAGEConv parameters: lin_l (applied to aggregated neighbors, with bias),
    # lin_r (root weight, no bias). Stored as [in, out] for x @ W.
    W_l = jax.random.normal(k3, (D, D), dtype=jnp.float32) * (1.0 / np.sqrt(D))
    b_l = jnp.zeros((D,), dtype=jnp.float32)
    W_r = jax.random.normal(k4, (D, D), dtype=jnp.float32) * (1.0 / np.sqrt(D))
    # NormedLinear weight [in_features, out_features], uniform(-1,1) then
    # column-renormed (forward normalizes anyway so exact renorm is irrelevant to math)
    W_n = jax.random.uniform(k5, (D, C), dtype=jnp.float32, minval=-1.0, maxval=1.0)
    col_norm = jnp.maximum(jnp.linalg.norm(W_n, axis=0, keepdims=True), 1e-12)
    W_n = W_n / col_norm  # renorm_(2,1,1e-5).mul_(1e5) -> unit-capped columns
    return {"x": x, "edge_index": edge_index, "W_l": W_l, "b_l": b_l, "W_r": W_r, "W_n": W_n}


def reference(x, edge_index, W_l, b_l, W_r, W_n):
    src = edge_index[0]
    dst = edge_index[1]
    feat = x
    # SAGEConv with mean aggregation: out = lin_l(mean_j x_j) + lin_r(x_i)
    msgs = jnp.take(x, src, axis=0)
    agg = jax.ops.segment_sum(msgs, dst, num_segments=N)
    deg = jax.ops.segment_sum(jnp.ones((E,), dtype=x.dtype), dst, num_segments=N)
    agg = agg / jnp.maximum(deg, 1.0)[:, None]
    h = agg @ W_l + b_l + x @ W_r
    out_feat = h
    # NormedLinear: 10 * normalize(h, dim=1) @ normalize(W_n, dim=0)
    hn = h / jnp.maximum(jnp.linalg.norm(h, axis=1, keepdims=True), 1e-12)
    wn = W_n / jnp.maximum(jnp.linalg.norm(W_n, axis=0, keepdims=True), 1e-12)
    out = 10.0 * (hn @ wn)
    return (out, feat, out_feat)

if __name__ == "__main__":
    import jax
    _d = setup_inputs()
    print(jax.jit(kernel)(*tuple(_d.values())))

</pallas_src>

<mosaic_0001>
#map = affine_map<(d0, d1) -> (0, 0)>
#map1 = affine_map<(d0, d1) -> (0)>
module attributes {stable_mosaic.version = 14 : i64} {
  func.func @_sc_body(%arg0: i32, %arg1: i32, %arg2: memref<20000x128xf32, #tpu.memory_space<hbm>>, %arg3: memref<160000xi32, #tpu.memory_space<hbm>>, %arg4: memref<160000xi32, #tpu.memory_space<hbm>>, %arg5: memref<20480x128xf32, #tpu.memory_space<hbm>>, %arg6: memref<80x128xf32, #tpu.memory_space<hbm>>, %arg7: memref<10256xi32, #tpu.memory_space<vmem>>, %arg8: memref<10256xi32, #tpu.memory_space<vmem>>, %arg9: memref<128xi32, #tpu.memory_space<vmem>>, %arg10: memref<128xi32, #tpu.memory_space<vmem>>, %arg11: memref<40xi32, #tpu.memory_space<vmem>>, %arg12: memref<128x128xf32, #tpu.memory_space<vmem>>, %arg13: memref<40x128xf32, #tpu.memory_space<vmem>>, %arg14: memref<10496x128xf32, #tpu.memory_space<vmem_shared>>, %arg15: memref<40x128xf32, #tpu.memory_space<vmem_shared>>, %arg16: memref<!tpu.dma_semaphore, #tpu.memory_space<semaphore_mem>>) attributes {dimension_semantics = [#tpu.dimension_semantics<core_parallel>, #tpu.dimension_semantics<subcore_parallel>], iteration_bounds = array<i64: 2, 16>, scalar_prefetch = 0 : i64, scratch_operands = 10 : i64, tpu.core_type = #tpu.core_type<sc_vector_subcore>, window_params = [{transform_indices = #map}, {transform_indices = #map1}, {transform_indices = #map1}, {transform_indices = #map}, {transform_indices = #map}]} {
    %mul3A = arith.constant 5120 : i32
    %mul3A_0 = arith.muli %arg0, %mul3A : i32
    %broadcast_in_dim3A = arith.constant 0.000000e+00 : f32
    %broadcast_in_dim3A_1 = vector.broadcast %broadcast_in_dim3A : f32 to vector<16xf32>
    %broadcast_in_dim3A_2 = arith.constant 1.000000e+00 : f32
    %broadcast_in_dim3A_3 = vector.broadcast %broadcast_in_dim3A_2 : f32 to vector<16xf32>
    %broadcast_in_dim3A_4 = arith.constant 0 : i32
    %broadcast_in_dim3A_5 = vector.broadcast %broadcast_in_dim3A_4 : i32 to vector<16xi32>
    %iota3A = tpu.iota {dimensions = array<i32: 0>} : vector<16xi32>
    %scan3A = arith.constant 0 : i32
    %scan3A_6 = arith.constant 0 : i32
    %scan3A_7 = arith.constant 40 : i32
    %scan3A_8 = arith.addi %scan3A_6, %scan3A_7 : i32
    %scan3A_9 = arith.constant 1 : i32
    scf.for %scan3A_270 = %scan3A_6 to %scan3A_8 step %scan3A_9  : i32 {
      %swap3A_271 = arith.index_cast %scan3A_270 : i32 to index
      %swap3A_272 = arith.constant 0 : index
      %swap3A_273 = tpu.vector_load %arg13[%swap3A_271, %swap3A_272] {strides = array<i32>} : memref<40x128xf32, #tpu.memory_space<vmem>>, vector<16xf32>,
      tpu.vector_store %arg13[%swap3A_271, %swap3A_272], %broadcast_in_dim3A_1 {strides = array<i32>} : memref<40x128xf32, #tpu.memory_space<vmem>>, vector<16xf32>,
      %swap3A_274 = arith.index_cast %scan3A_270 : i32 to index
      %swap3A_275 = arith.constant 16 : index
      %swap3A_276 = tpu.vector_load %arg13[%swap3A_274, %swap3A_275] {strides = array<i32>} : memref<40x128xf32, #tpu.memory_space<vmem>>, vector<16xf32>,
      tpu.vector_store %arg13[%swap3A_274, %swap3A_275], %broadcast_in_dim3A_1 {strides = array<i32>} : memref<40x128xf32, #tpu.memory_space<vmem>>, vector<16xf32>,
      %swap3A_277 = arith.index_cast %scan3A_270 : i32 to index
      %swap3A_278 = arith.constant 32 : index
      %swap3A_279 = tpu.vector_load %arg13[%swap3A_277, %swap3A_278] {strides = array<i32>} : memref<40x128xf32, #tpu.memory_space<vmem>>, vector<16xf32>,
      tpu.vector_store %arg13[%swap3A_277, %swap3A_278], %broadcast_in_dim3A_1 {strides = array<i32>} : memref<40x128xf32, #tpu.memory_space<vmem>>, vector<16xf32>,
      %swap3A_280 = arith.index_cast %scan3A_270 : i32 to index
      %swap3A_281 = arith.constant 48 : index
      %swap3A_282 = tpu.vector_load %arg13[%swap3A_280, %swap3A_281] {strides = array<i32>} : memref<40x128xf32, #tpu.memory_space<vmem>>, vector<16xf32>,
      tpu.vector_store %arg13[%swap3A_280, %swap3A_281], %broadcast_in_dim3A_1 {strides = array<i32>} : memref<40x128xf32, #tpu.memory_space<vmem>>, vector<16xf32>,
      %swap3A_283 = arith.index_cast %scan3A_270 : i32 to index
      %swap3A_284 = arith.constant 64 : index
      %swap3A_285 = tpu.vector_load %arg13[%swap3A_283, %swap3A_284] {strides = array<i32>} : memref<40x128xf32, #tpu.memory_space<vmem>>, vector<16xf32>,
      tpu.vector_store %arg13[%swap3A_283, %swap3A_284], %broadcast_in_dim3A_1 {strides = array<i32>} : memref<40x128xf32, #tpu.memory_space<vmem>>, vector<16xf32>,
      %swap3A_286 = arith.index_cast %scan3A_270 : i32 to index
      %swap3A_287 = arith.constant 80 : index
      %swap3A_288 = tpu.vector_load %arg13[%swap3A_286, %swap3A_287] {strides = array<i32>} : memref<40x128xf32, #tpu.memory_space<vmem>>, vector<16xf32>,
      tpu.vector_store %arg13[%swap3A_286, %swap3A_287], %broadcast_in_dim3A_1 {strides = array<i32>} : memref<40x128xf32, #tpu.memory_space<vmem>>, vector<16xf32>,
      %swap3A_289 = arith.index_cast %scan3A_270 : i32 to index
      %swap3A_290 = arith.constant 96 : index
      %swap3A_291 = tpu.vector_load %arg13[%swap3A_289, %swap3A_290] {strides = array<i32>} : memref<40x128xf32, #tpu.memory_space<vmem>>, vector<16xf32>,
      tpu.vector_store %arg13[%swap3A_289, %swap3A_290], %broadcast_in_dim3A_1 {strides = array<i32>} : memref<40x128xf32, #tpu.memory_space<vmem>>, vector<16xf32>,
      %swap3A_292 = arith.index_cast %scan3A_270 : i32 to index
      %swap3A_293 = arith.constant 112 : index
      %swap3A_294 = tpu.vector_load %arg13[%swap3A_292, %swap3A_293] {strides = array<i32>} : memref<40x128xf32, #tpu.memory_space<vmem>>, vector<16xf32>,
      tpu.vector_store %arg13[%swap3A_292, %swap3A_293], %broadcast_in_dim3A_1 {strides = array<i32>} : memref<40x128xf32, #tpu.memory_space<vmem>>, vector<16xf32>,
    }
    %scan3A_10 = arith.constant 40 : i32
    %eq3A = arith.constant 0 : i32
    %eq3A_11 = arith.cmpi eq, %arg1, %eq3A : i32
    %convert_element_type3A = arith.extui %eq3A_11 : i1 to i32
    %cond3A = arith.constant 0 : i32
    %cond3A_12 = arith.cmpi ne, %convert_element_type3A, %cond3A : i32
    scf.if %cond3A_12 {
      "tpu.region"() ({
        %run_scoped3A = tpu.sem_alloc : memref<!tpu.dma_semaphore, #tpu.memory_space<semaphore_mem>>
        tpu.enqueue_dma source(%arg13 : memref<40x128xf32, #tpu.memory_space<vmem>>) target(%arg15 : memref<40x128xf32, #tpu.memory_space<vmem_shared>>) target_semaphore(%run_scoped3A : memref<!tpu.dma_semaphore, #tpu.memory_space<semaphore_mem>>)
        tpu.wait_dma2 semaphore(%run_scoped3A : memref<!tpu.dma_semaphore, #tpu.memory_space<semaphore_mem>>) src(%arg13 : memref<40x128xf32, #tpu.memory_space<vmem>>) dst(%arg15 : memref<40x128xf32, #tpu.memory_space<vmem_shared>>)
        tpu.yield
      }) : () -> ()
    } else {
    }
    %scan3A_13 = arith.constant 0 : i32
    %scan3A_14 = arith.constant 0 : i32
    %scan3A_15 = arith.constant 128 : i32
    %scan3A_16 = arith.addi %scan3A_14, %scan3A_15 : i32
    %scan3A_17 = arith.constant 1 : i32
    scf.for %scan3A_270 = %scan3A_14 to %scan3A_16 step %scan3A_17  : i32 {
      %swap3A_271 = arith.index_cast %scan3A_270 : i32 to index
      %swap3A_272 = arith.constant 0 : index
      %swap3A_273 = tpu.vector_load %arg12[%swap3A_271, %swap3A_272] {strides = array<i32>} : memref<128x128xf32, #tpu.memory_space<vmem>>, vector<16xf32>,
      tpu.vector_store %arg12[%swap3A_271, %swap3A_272], %broadcast_in_dim3A_1 {strides = array<i32>} : memref<128x128xf32, #tpu.memory_space<vmem>>, vector<16xf32>,
      %swap3A_274 = arith.index_cast %scan3A_270 : i32 to index
      %swap3A_275 = arith.constant 16 : index
      %swap3A_276 = tpu.vector_load %arg12[%swap3A_274, %swap3A_275] {strides = array<i32>} : memref<128x128xf32, #tpu.memory_space<vmem>>, vector<16xf32>,
      tpu.vector_store %arg12[%swap3A_274, %swap3A_275], %broadcast_in_dim3A_1 {strides = array<i32>} : memref<128x128xf32, #tpu.memory_space<vmem>>, vector<16xf32>,
      %swap3A_277 = arith.index_cast %scan3A_270 : i32 to index
      %swap3A_278 = arith.constant 32 : index
      %swap3A_279 = tpu.vector_load %arg12[%swap3A_277, %swap3A_278] {strides = array<i32>} : memref<128x128xf32, #tpu.memory_space<vmem>>, vector<16xf32>,
      tpu.vector_store %arg12[%swap3A_277, %swap3A_278], %broadcast_in_dim3A_1 {strides = array<i32>} : memref<128x128xf32, #tpu.memory_space<vmem>>, vector<16xf32>,
      %swap3A_280 = arith.index_cast %scan3A_270 : i32 to index
      %swap3A_281 = arith.constant 48 : index
      %swap3A_282 = tpu.vector_load %arg12[%swap3A_280, %swap3A_281] {strides = array<i32>} : memref<128x128xf32, #tpu.memory_space<vmem>>, vector<16xf32>,
      tpu.vector_store %arg12[%swap3A_280, %swap3A_281], %broadcast_in_dim3A_1 {strides = array<i32>} : memref<128x128xf32, #tpu.memory_space<vmem>>, vector<16xf32>,
      %swap3A_283 = arith.index_cast %scan3A_270 : i32 to index
      %swap3A_284 = arith.constant 64 : index
      %swap3A_285 = tpu.vector_load %arg12[%swap3A_283, %swap3A_284] {strides = array<i32>} : memref<128x128xf32, #tpu.memory_space<vmem>>, vector<16xf32>,
      tpu.vector_store %arg12[%swap3A_283, %swap3A_284], %broadcast_in_dim3A_1 {strides = array<i32>} : memref<128x128xf32, #tpu.memory_space<vmem>>, vector<16xf32>,
      %swap3A_286 = arith.index_cast %scan3A_270 : i32 to index
      %swap3A_287 = arith.constant 80 : index
      %swap3A_288 = tpu.vector_load %arg12[%swap3A_286, %swap3A_287] {strides = array<i32>} : memref<128x128xf32, #tpu.memory_space<vmem>>, vector<16xf32>,
      tpu.vector_store %arg12[%swap3A_286, %swap3A_287], %broadcast_in_dim3A_1 {strides = array<i32>} : memref<128x128xf32, #tpu.memory_space<vmem>>, vector<16xf32>,
      %swap3A_289 = arith.index_cast %scan3A_270 : i32 to index
      %swap3A_290 = arith.constant 96 : index
      %swap3A_291 = tpu.vector_load %arg12[%swap3A_289, %swap3A_290] {strides = array<i32>} : memref<128x128xf32, #tpu.memory_space<vmem>>, vector<16xf32>,
      tpu.vector_store %arg12[%swap3A_289, %swap3A_290], %broadcast_in_dim3A_1 {strides = array<i32>} : memref<128x128xf32, #tpu.memory_space<vmem>>, vector<16xf32>,
      %swap3A_292 = arith.index_cast %scan3A_270 : i32 to index
      %swap3A_293 = arith.constant 112 : index
      %swap3A_294 = tpu.vector_load %arg12[%swap3A_292, %swap3A_293] {strides = array<i32>} : memref<128x128xf32, #tpu.memory_space<vmem>>, vector<16xf32>,
      tpu.vector_store %arg12[%swap3A_292, %swap3A_293], %broadcast_in_dim3A_1 {strides = array<i32>} : memref<128x128xf32, #tpu.memory_space<vmem>>, vector<16xf32>,
    }
    %scan3A_18 = arith.constant 128 : i32
    %mul3A_19 = arith.constant 656 : i32
    %mul3A_20 = arith.muli %arg1, %mul3A_19 : i32
    %add3A = arith.constant 0 : i32
    %add3A_21 = arith.addi %mul3A_20, %add3A : i32
    %dma_start3A = arith.constant 0 : i32
    %dma_start3A_22 = tpu.memref_slice %arg14[%add3A_21, %dma_start3A] : memref<10496x128xf32, #tpu.memory_space<vmem_shared>> -> memref<128x128xf32, #tpu.memory_space<vmem_shared>>
    %dma_start3A_23 = arith.constant 0 : i32
    %dma_start3A_24 = tpu.memref_slice %arg14[%add3A_21, %dma_start3A_23] : memref<10496x128xf32, #tpu.memory_space<vmem_shared>> -> memref<128x128xf32, #tpu.memory_space<vmem_shared>>
    tpu.enqueue_dma source(%arg12 : memref<128x128xf32, #tpu.memory_space<vmem>>) target(%dma_start3A_24 : memref<128x128xf32, #tpu.memory_space<vmem_shared>>) target_semaphore(%arg16 : memref<!tpu.dma_semaphore, #tpu.memory_space<semaphore_mem>>)
    %add3A_25 = arith.constant 128 : i32
    %add3A_26 = arith.addi %mul3A_20, %add3A_25 : i32
    %dma_start3A_27 = arith.constant 0 : i32
    %dma_start3A_28 = tpu.memref_slice %arg14[%add3A_26, %dma_start3A_27] : memref<10496x128xf32, #tpu.memory_space<vmem_shared>> -> memref<128x128xf32, #tpu.memory_space<vmem_shared>>
    %dma_start3A_29 = arith.constant 0 : i32
    %dma_start3A_30 = tpu.memref_slice %arg14[%add3A_26, %dma_start3A_29] : memref<10496x128xf32, #tpu.memory_space<vmem_shared>> -> memref<128x128xf32, #tpu.memory_space<vmem_shared>>
    tpu.enqueue_dma source(%arg12 : memref<128x128xf32, #tpu.memory_space<vmem>>) target(%dma_start3A_30 : memref<128x128xf32, #tpu.memory_space<vmem_shared>>) target_semaphore(%arg16 : memref<!tpu.dma_semaphore, #tpu.memory_space<semaphore_mem>>)
    %add3A_31 = arith.constant 256 : i32
    %add3A_32 = arith.addi %mul3A_20, %add3A_31 : i32
    %dma_start3A_33 = arith.constant 0 : i32
    %dma_start3A_34 = tpu.memref_slice %arg14[%add3A_32, %dma_start3A_33] : memref<10496x128xf32, #tpu.memory_space<vmem_shared>> -> memref<128x128xf32, #tpu.memory_space<vmem_shared>>
    %dma_start3A_35 = arith.constant 0 : i32
    %dma_start3A_36 = tpu.memref_slice %arg14[%add3A_32, %dma_start3A_35] : memref<10496x128xf32, #tpu.memory_space<vmem_shared>> -> memref<128x128xf32, #tpu.memory_space<vmem_shared>>
    tpu.enqueue_dma source(%arg12 : memref<128x128xf32, #tpu.memory_space<vmem>>) target(%dma_start3A_36 : memref<128x128xf32, #tpu.memory_space<vmem_shared>>) target_semaphore(%arg16 : memref<!tpu.dma_semaphore, #tpu.memory_space<semaphore_mem>>)
    %add3A_37 = arith.constant 384 : i32
    %add3A_38 = arith.addi %mul3A_20, %add3A_37 : i32
    %dma_start3A_39 = arith.constant 0 : i32
    %dma_start3A_40 = tpu.memref_slice %arg14[%add3A_38, %dma_start3A_39] : memref<10496x128xf32, #tpu.memory_space<vmem_shared>> -> memref<128x128xf32, #tpu.memory_space<vmem_shared>>
    %dma_start3A_41 = arith.constant 0 : i32
    %dma_start3A_42 = tpu.memref_slice %arg14[%add3A_38, %dma_start3A_41] : memref<10496x128xf32, #tpu.memory_space<vmem_shared>> -> memref<128x128xf32, #tpu.memory_space<vmem_shared>>
    tpu.enqueue_dma source(%arg12 : memref<128x128xf32, #tpu.memory_space<vmem>>) target(%dma_start3A_42 : memref<128x128xf32, #tpu.memory_space<vmem_shared>>) target_semaphore(%arg16 : memref<!tpu.dma_semaphore, #tpu.memory_space<semaphore_mem>>)
    %add3A_43 = arith.constant 512 : i32
    %add3A_44 = arith.addi %mul3A_20, %add3A_43 : i32
    %dma_start3A_45 = arith.constant 0 : i32
    %dma_start3A_46 = tpu.memref_slice %arg14[%add3A_44, %dma_start3A_45] : memref<10496x128xf32, #tpu.memory_space<vmem_shared>> -> memref<128x128xf32, #tpu.memory_space<vmem_shared>>
    %dma_start3A_47 = arith.constant 0 : i32
    %dma_start3A_48 = tpu.memref_slice %arg14[%add3A_44, %dma_start3A_47] : memref<10496x128xf32, #tpu.memory_space<vmem_shared>> -> memref<128x128xf32, #tpu.memory_space<vmem_shared>>
    tpu.enqueue_dma source(%arg12 : memref<128x128xf32, #tpu.memory_space<vmem>>) target(%dma_start3A_48 : memref<128x128xf32, #tpu.memory_space<vmem_shared>>) target_semaphore(%arg16 : memref<!tpu.dma_semaphore, #tpu.memory_space<semaphore_mem>>)
    %add3A_49 = arith.constant 640 : i32
    %add3A_50 = arith.addi %mul3A_20, %add3A_49 : i32
    %dma_start3A_51 = arith.constant 0 : i32
    %dma_start3A_52 = arith.constant 0 : i32
    %dma_start3A_53 = tpu.memref_slice %arg12[%dma_start3A_51, %dma_start3A_52] : memref<128x128xf32, #tpu.memory_space<vmem>> -> memref<16x128xf32, #tpu.memory_space<vmem>>
    %dma_start3A_54 = arith.constant 0 : i32
    %dma_start3A_55 = tpu.memref_slice %arg14[%add3A_50, %dma_start3A_54] : memref<10496x128xf32, #tpu.memory_space<vmem_shared>> -> memref<16x128xf32, #tpu.memory_space<vmem_shared>>
    %dma_start3A_56 = arith.constant 0 : i32
    %dma_start3A_57 = tpu.memref_slice %arg14[%add3A_50, %dma_start3A_56] : memref<10496x128xf32, #tpu.memory_space<vmem_shared>> -> memref<16x128xf32, #tpu.memory_space<vmem_shared>>
    %dma_start3A_58 = arith.constant 0 : i32
    %dma_start3A_59 = arith.constant 0 : i32
    %dma_start3A_60 = tpu.memref_slice %arg12[%dma_start3A_58, %dma_start3A_59] : memref<128x128xf32, #tpu.memory_space<vmem>> -> memref<16x128xf32, #tpu.memory_space<vmem>>
    tpu.enqueue_dma source(%dma_start3A_60 : memref<16x128xf32, #tpu.memory_space<vmem>>) target(%dma_start3A_57 : memref<16x128xf32, #tpu.memory_space<vmem_shared>>) target_semaphore(%arg16 : memref<!tpu.dma_semaphore, #tpu.memory_space<semaphore_mem>>)
    %mul3A_61 = arith.constant 10000 : i32
    %mul3A_62 = arith.muli %arg1, %mul3A_61 : i32
    %broadcast_in_dim3A_63 = arith.constant 5120 : i32
    %broadcast_in_dim3A_64 = vector.broadcast %broadcast_in_dim3A_63 : i32 to vector<16xi32>
    %add3A_65 = arith.constant 0 : i32
    %add3A_66 = arith.addi %mul3A_62, %add3A_65 : i32
    "tpu.region"() ({
      %run_scoped3A = tpu.sem_alloc : memref<!tpu.dma_semaphore, #tpu.memory_space<semaphore_mem>>
      %dma_start3A_270 = arith.constant 0 : i32
      %dma_start3A_271 = tpu.memref_slice %arg7[%dma_start3A_270] : memref<10256xi32, #tpu.memory_space<vmem>> -> memref<10000xi32, #tpu.memory_space<vmem>>
      %dma_start3A_272 = tpu.memref_slice %arg3[%add3A_66] : memref<160000xi32, #tpu.memory_space<hbm>> -> memref<10000xi32, #tpu.memory_space<hbm>>
      %dma_start3A_273 = arith.constant 0 : i32
      %dma_start3A_274 = tpu.memref_slice %arg7[%dma_start3A_273] : memref<10256xi32, #tpu.memory_space<vmem>> -> memref<10000xi32, #tpu.memory_space<vmem>>
      %dma_start3A_275 = tpu.memref_slice %arg3[%add3A_66] : memref<160000xi32, #tpu.memory_space<hbm>> -> memref<10000xi32, #tpu.memory_space<hbm>>
      tpu.enqueue_dma source(%dma_start3A_275 : memref<10000xi32, #tpu.memory_space<hbm>>) target(%dma_start3A_274 : memref<10000xi32, #tpu.memory_space<vmem>>) target_semaphore(%run_scoped3A : memref<!tpu.dma_semaphore, #tpu.memory_space<semaphore_mem>>)
      %dma_wait3A_276 = arith.constant 0 : i32
      %dma_wait3A_277 = tpu.memref_slice %arg7[%dma_wait3A_276] : memref<10256xi32, #tpu.memory_space<vmem>> -> memref<10000xi32, #tpu.memory_space<vmem>>
      %dma_wait3A_278 = tpu.memref_slice %arg3[%add3A_66] : memref<160000xi32, #tpu.memory_space<hbm>> -> memref<10000xi32, #tpu.memory_space<hbm>>
      %dma_wait3A_279 = arith.constant 0 : i32
      %dma_wait3A_280 = tpu.memref_slice %arg7[%dma_wait3A_279] : memref<10256xi32, #tpu.memory_space<vmem>> -> memref<10000xi32, #tpu.memory_space<vmem>>
      %dma_wait3A_281 = tpu.memref_slice %arg3[%add3A_66] : memref<160000xi32, #tpu.memory_space<hbm>> -> memref<10000xi32, #tpu.memory_space<hbm>>
      tpu.wait_dma2 semaphore(%run_scoped3A : memref<!tpu.dma_semaphore, #tpu.memory_space<semaphore_mem>>) src(%dma_wait3A_281 : memref<10000xi32, #tpu.memory_space<hbm>>) dst(%dma_wait3A_280 : memref<10000xi32, #tpu.memory_space<vmem>>)
      tpu.yield
    }) : () -> ()
    %add3A_67 = arith.constant 0 : i32
    %add3A_68 = arith.addi %mul3A_62, %add3A_67 : i32
    "tpu.region"() ({
      %run_scoped3A = tpu.sem_alloc : memref<!tpu.dma_semaphore, #tpu.memory_space<semaphore_mem>>
      %dma_start3A_270 = arith.constant 0 : i32
      %dma_start3A_271 = tpu.memref_slice %arg8[%dma_start3A_270] : memref<10256xi32, #tpu.memory_space<vmem>> -> memref<10000xi32, #tpu.memory_space<vmem>>
      %dma_start3A_272 = tpu.memref_slice %arg4[%add3A_68] : memref<160000xi32, #tpu.memory_space<hbm>> -> memref<10000xi32, #tpu.memory_space<hbm>>
      %dma_start3A_273 = arith.constant 0 : i32
      %dma_start3A_274 = tpu.memref_slice %arg8[%dma_start3A_273] : memref<10256xi32, #tpu.memory_space<vmem>> -> memref<10000xi32, #tpu.memory_space<vmem>>
      %dma_start3A_275 = tpu.memref_slice %arg4[%add3A_68] : memref<160000xi32, #tpu.memory_space<hbm>> -> memref<10000xi32, #tpu.memory_space<hbm>>
      tpu.enqueue_dma source(%dma_start3A_275 : memref<10000xi32, #tpu.memory_space<hbm>>) target(%dma_start3A_274 : memref<10000xi32, #tpu.memory_space<vmem>>) target_semaphore(%run_scoped3A : memref<!tpu.dma_semaphore, #tpu.memory_space<semaphore_mem>>)
      %dma_wait3A_276 = arith.constant 0 : i32
      %dma_wait3A_277 = tpu.memref_slice %arg8[%dma_wait3A_276] : memref<10256xi32, #tpu.memory_space<vmem>> -> memref<10000xi32, #tpu.memory_space<vmem>>
      %dma_wait3A_278 = tpu.memref_slice %arg4[%add3A_68] : memref<160000xi32, #tpu.memory_space<hbm>> -> memref<10000xi32, #tpu.memory_space<hbm>>
      %dma_wait3A_279 = arith.constant 0 : i32
      %dma_wait3A_280 = tpu.memref_slice %arg8[%dma_wait3A_279] : memref<10256xi32, #tpu.memory_space<vmem>> -> memref<10000xi32, #tpu.memory_space<vmem>>
      %dma_wait3A_281 = tpu.memref_slice %arg4[%add3A_68] : memref<160000xi32, #tpu.memory_space<hbm>> -> memref<10000xi32, #tpu.memory_space<hbm>>
      tpu.wait_dma2 semaphore(%run_scoped3A : memref<!tpu.dma_semaphore, #tpu.memory_space<semaphore_mem>>) src(%dma_wait3A_281 : memref<10000xi32, #tpu.memory_space<hbm>>) dst(%dma_wait3A_280 : memref<10000xi32, #tpu.memory_space<vmem>>)
      tpu.yield
    }) : () -> ()
    %scan3A_69 = arith.constant 0 : i32
    %scan3A_70 = arith.constant 0 : i32
    %scan3A_71 = arith.constant 625 : i32
    %scan3A_72 = arith.addi %scan3A_70, %scan3A_71 : i32
    %scan3A_73 = arith.constant 1 : i32
    %scan3A_74 = scf.for %scan3A_270 = %scan3A_70 to %scan3A_72 step %scan3A_73 iter_args(%scan3A_271 = %scan3A_69) -> (i32)  : i32 {
      %mul3A_272 = arith.constant 16 : i32
      %mul3A_273 = arith.muli %scan3A_270, %mul3A_272 : i32
      %get3A = arith.index_cast %mul3A_273 : i32 to index
      %get3A_274 = tpu.vector_load %arg8[%get3A] {strides = array<i32>} : memref<10256xi32, #tpu.memory_space<vmem>>, vector<16xi32>,
      %mul3A_275 = arith.constant 16 : i32
      %mul3A_276 = arith.muli %scan3A_270, %mul3A_275 : i32
      %get3A_277 = arith.index_cast %mul3A_276 : i32 to index
      %get3A_278 = tpu.vector_load %arg7[%get3A_277] {strides = array<i32>} : memref<10256xi32, #tpu.memory_space<vmem>>, vector<16xi32>,
      %sub3A = vector.broadcast %mul3A_0 : i32 to vector<16xi32>
      %sub3A_279 = arith.subi %get3A_274, %sub3A : vector<16xi32>
      %ge3A = arith.constant 0 : i32
      %ge3A_280 = vector.broadcast %ge3A : i32 to vector<16xi32>
      %ge3A_281 = arith.cmpi sge, %sub3A_279, %ge3A_280 : vector<16xi32>
      %lt3A = arith.constant 5120 : i32
      %lt3A_282 = vector.broadcast %lt3A : i32 to vector<16xi32>
      %lt3A_283 = arith.cmpi slt, %sub3A_279, %lt3A_282 : vector<16xi32>
      %and3A = arith.andi %ge3A_281, %lt3A_283 : vector<16xi1>
      %jit3A = arith.constant 0 : i32
      %jit3A_284 = arith.constant 5119 : i32
      %max3A = vector.broadcast %jit3A : i32 to vector<16xi32>
      %max3A_285 = arith.maxsi %max3A, %sub3A_279 : vector<16xi32>
      %min3A = vector.broadcast %jit3A_284 : i32 to vector<16xi32>
      %min3A_286 = arith.minsi %min3A, %max3A_285 : vector<16xi32>
      %shift_right_arithmetic3A_287 = arith.constant 7 : i32
      %shift_right_arithmetic3A_288 = vector.broadcast %shift_right_arithmetic3A_287 : i32 to vector<16xi32>
      %shift_right_arithmetic3A_289 = arith.shrsi %min3A_286, %shift_right_arithmetic3A_288 : vector<16xi32>
      %and3A_290 = arith.constant 127 : i32
      %and3A_291 = vector.broadcast %and3A_290 : i32 to vector<16xi32>
      %and3A_292 = arith.andi %min3A_286, %and3A_291 : vector<16xi32>
      tpu.vector_store_idx %arg13[%shift_right_arithmetic3A_289, %and3A_292], %broadcast_in_dim3A_3 masked %and3A {add = true} : memref<40x128xf32, #tpu.memory_space<vmem>>[vector<16xi32>, vector<16xi32>], vector<16xf32>, vector<16xi1>
      %swap3A_293 = arith.index_cast %scan3A_271 : i32 to index
      %swap3A_294 = tpu.vector_load %arg8[%swap3A_293] masked %and3A {strides = array<i32>} : memref<10256xi32, #tpu.memory_space<vmem>>, vector<16xi32>, vector<16xi1>
      tpu.vector_store %arg8[%swap3A_293], %sub3A_279 masked %and3A {strides = array<i32>} : memref<10256xi32, #tpu.memory_space<vmem>>, vector<16xi32>, vector<16xi1>
      %swap3A_295 = arith.index_cast %scan3A_271 : i32 to index
      %swap3A_296 = tpu.vector_load %arg7[%swap3A_295] masked %and3A {strides = array<i32>} : memref<10256xi32, #tpu.memory_space<vmem>>, vector<16xi32>, vector<16xi1>
      tpu.vector_store %arg7[%swap3A_295], %get3A_278 masked %and3A {strides = array<i32>} : memref<10256xi32, #tpu.memory_space<vmem>>, vector<16xi32>, vector<16xi1>
      %jit3A_297 = arith.constant 1 : i32
      %jit3A_298 = arith.constant 0 : i32
      %broadcast_in_dim3A_299 = vector.broadcast %jit3A_297 : i32 to vector<16xi32>
      %broadcast_in_dim3A_300 = vector.broadcast %jit3A_298 : i32 to vector<16xi32>
      %select_n3A = arith.select %and3A, %broadcast_in_dim3A_299, %broadcast_in_dim3A_300 : vector<16xi1>, vector<16xi32>
      %reduce_sum3A = arith.constant true
      %reduce_sum3A_301 = vector.broadcast %reduce_sum3A : i1 to vector<16xi1>
      %reduce_sum3A_302 = tpu.scan <sum>, %select_n3A masked %reduce_sum3A_301 : vector<16xi32>, vector<16xi1> -> vector<16xi32>
      %reduce_sum3A_303 = vector.extract %reduce_sum3A_302[15] : i32 from vector<16xi32>
      %add3A_304 = arith.addi %scan3A_271, %reduce_sum3A_303 : i32
      scf.yield %add3A_304 : i32
    }
    %scan3A_75 = arith.constant 625 : i32
    %add3A_76 = arith.constant 0 : i32
    %add3A_77 = arith.addi %scan3A_74, %add3A_76 : i32
    %swap3A = arith.index_cast %add3A_77 : i32 to index
    %swap3A_78 = tpu.vector_load %arg7[%swap3A] {strides = array<i32>} : memref<10256xi32, #tpu.memory_space<vmem>>, vector<16xi32>,
    tpu.vector_store %arg7[%swap3A], %broadcast_in_dim3A_5 {strides = array<i32>} : memref<10256xi32, #tpu.memory_space<vmem>>, vector<16xi32>,
    %add3A_79 = arith.constant 0 : i32
    %add3A_80 = arith.addi %scan3A_74, %add3A_79 : i32
    %swap3A_81 = arith.index_cast %add3A_80 : i32 to index
    %swap3A_82 = tpu.vector_load %arg8[%swap3A_81] {strides = array<i32>} : memref<10256xi32, #tpu.memory_space<vmem>>, vector<16xi32>,
    tpu.vector_store %arg8[%swap3A_81], %broadcast_in_dim3A_64 {strides = array<i32>} : memref<10256xi32, #tpu.memory_space<vmem>>, vector<16xi32>,
    %add3A_83 = arith.constant 16 : i32
    %add3A_84 = arith.addi %scan3A_74, %add3A_83 : i32
    %swap3A_85 = arith.index_cast %add3A_84 : i32 to index
    %swap3A_86 = tpu.vector_load %arg7[%swap3A_85] {strides = array<i32>} : memref<10256xi32, #tpu.memory_space<vmem>>, vector<16xi32>,
    tpu.vector_store %arg7[%swap3A_85], %broadcast_in_dim3A_5 {strides = array<i32>} : memref<10256xi32, #tpu.memory_space<vmem>>, vector<16xi32>,
    %add3A_87 = arith.constant 16 : i32
    %add3A_88 = arith.addi %scan3A_74, %add3A_87 : i32
    %swap3A_89 = arith.index_cast %add3A_88 : i32 to index
    %swap3A_90 = tpu.vector_load %arg8[%swap3A_89] {strides = array<i32>} : memref<10256xi32, #tpu.memory_space<vmem>>, vector<16xi32>,
    tpu.vector_store %arg8[%swap3A_89], %broadcast_in_dim3A_64 {strides = array<i32>} : memref<10256xi32, #tpu.memory_space<vmem>>, vector<16xi32>,
    %add3A_91 = arith.constant 32 : i32
    %add3A_92 = arith.addi %scan3A_74, %add3A_91 : i32
    %swap3A_93 = arith.index_cast %add3A_92 : i32 to index
    %swap3A_94 = tpu.vector_load %arg7[%swap3A_93] {strides = array<i32>} : memref<10256xi32, #tpu.memory_space<vmem>>, vector<16xi32>,
    tpu.vector_store %arg7[%swap3A_93], %broadcast_in_dim3A_5 {strides = array<i32>} : memref<10256xi32, #tpu.memory_space<vmem>>, vector<16xi32>,
    %add3A_95 = arith.constant 32 : i32
    %add3A_96 = arith.addi %scan3A_74, %add3A_95 : i32
    %swap3A_97 = arith.index_cast %add3A_96 : i32 to index
    %swap3A_98 = tpu.vector_load %arg8[%swap3A_97] {strides = array<i32>} : memref<10256xi32, #tpu.memory_space<vmem>>, vector<16xi32>,
    tpu.vector_store %arg8[%swap3A_97], %broadcast_in_dim3A_64 {strides = array<i32>} : memref<10256xi32, #tpu.memory_space<vmem>>, vector<16xi32>,
    %add3A_99 = arith.constant 48 : i32
    %add3A_100 = arith.addi %scan3A_74, %add3A_99 : i32
    %swap3A_101 = arith.index_cast %add3A_100 : i32 to index
    %swap3A_102 = tpu.vector_load %arg7[%swap3A_101] {strides = array<i32>} : memref<10256xi32, #tpu.memory_space<vmem>>, vector<16xi32>,
    tpu.vector_store %arg7[%swap3A_101], %broadcast_in_dim3A_5 {strides = array<i32>} : memref<10256xi32, #tpu.memory_space<vmem>>, vector<16xi32>,
    %add3A_103 = arith.constant 48 : i32
    %add3A_104 = arith.addi %scan3A_74, %add3A_103 : i32
    %swap3A_105 = arith.index_cast %add3A_104 : i32 to index
    %swap3A_106 = tpu.vector_load %arg8[%swap3A_105] {strides = array<i32>} : memref<10256xi32, #tpu.memory_space<vmem>>, vector<16xi32>,
    tpu.vector_store %arg8[%swap3A_105], %broadcast_in_dim3A_64 {strides = array<i32>} : memref<10256xi32, #tpu.memory_space<vmem>>, vector<16xi32>,
    %add3A_107 = arith.constant 64 : i32
    %add3A_108 = arith.addi %scan3A_74, %add3A_107 : i32
    %swap3A_109 = arith.index_cast %add3A_108 : i32 to index
    %swap3A_110 = tpu.vector_load %arg7[%swap3A_109] {strides = array<i32>} : memref<10256xi32, #tpu.memory_space<vmem>>, vector<16xi32>,
    tpu.vector_store %arg7[%swap3A_109], %broadcast_in_dim3A_5 {strides = array<i32>} : memref<10256xi32, #tpu.memory_space<vmem>>, vector<16xi32>,
    %add3A_111 = arith.constant 64 : i32
    %add3A_112 = arith.addi %scan3A_74, %add3A_111 : i32
    %swap3A_113 = arith.index_cast %add3A_112 : i32 to index
    %swap3A_114 = tpu.vector_load %arg8[%swap3A_113] {strides = array<i32>} : memref<10256xi32, #tpu.memory_space<vmem>>, vector<16xi32>,
    tpu.vector_store %arg8[%swap3A_113], %broadcast_in_dim3A_64 {strides = array<i32>} : memref<10256xi32, #tpu.memory_space<vmem>>, vector<16xi32>,
    %add3A_115 = arith.constant 80 : i32
    %add3A_116 = arith.addi %scan3A_74, %add3A_115 : i32
    %swap3A_117 = arith.index_cast %add3A_116 : i32 to index
    %swap3A_118 = tpu.vector_load %arg7[%swap3A_117] {strides = array<i32>} : memref<10256xi32, #tpu.memory_space<vmem>>, vector<16xi32>,
    tpu.vector_store %arg7[%swap3A_117], %broadcast_in_dim3A_5 {strides = array<i32>} : memref<10256xi32, #tpu.memory_space<vmem>>, vector<16xi32>,
    %add3A_119 = arith.constant 80 : i32
    %add3A_120 = arith.addi %scan3A_74, %add3A_119 : i32
    %swap3A_121 = arith.index_cast %add3A_120 : i32 to index
    %swap3A_122 = tpu.vector_load %arg8[%swap3A_121] {strides = array<i32>} : memref<10256xi32, #tpu.memory_space<vmem>>, vector<16xi32>,
    tpu.vector_store %arg8[%swap3A_121], %broadcast_in_dim3A_64 {strides = array<i32>} : memref<10256xi32, #tpu.memory_space<vmem>>, vector<16xi32>,
    %add3A_123 = arith.constant 96 : i32
    %add3A_124 = arith.addi %scan3A_74, %add3A_123 : i32
    %swap3A_125 = arith.index_cast %add3A_124 : i32 to index
    %swap3A_126 = tpu.vector_load %arg7[%swap3A_125] {strides = array<i32>} : memref<10256xi32, #tpu.memory_space<vmem>>, vector<16xi32>,
    tpu.vector_store %arg7[%swap3A_125], %broadcast_in_dim3A_5 {strides = array<i32>} : memref<10256xi32, #tpu.memory_space<vmem>>, vector<16xi32>,
    %add3A_127 = arith.constant 96 : i32
    %add3A_128 = arith.addi %scan3A_74, %add3A_127 : i32
    %swap3A_129 = arith.index_cast %add3A_128 : i32 to index
    %swap3A_130 = tpu.vector_load %arg8[%swap3A_129] {strides = array<i32>} : memref<10256xi32, #tpu.memory_space<vmem>>, vector<16xi32>,
    tpu.vector_store %arg8[%swap3A_129], %broadcast_in_dim3A_64 {strides = array<i32>} : memref<10256xi32, #tpu.memory_space<vmem>>, vector<16xi32>,
    %add3A_131 = arith.constant 112 : i32
    %add3A_132 = arith.addi %scan3A_74, %add3A_131 : i32
    %swap3A_133 = arith.index_cast %add3A_132 : i32 to index
    %swap3A_134 = tpu.vector_load %arg7[%swap3A_133] {strides = array<i32>} : memref<10256xi32, #tpu.memory_space<vmem>>, vector<16xi32>,
    tpu.vector_store %arg7[%swap3A_133], %broadcast_in_dim3A_5 {strides = array<i32>} : memref<10256xi32, #tpu.memory_space<vmem>>, vector<16xi32>,
    %add3A_135 = arith.constant 112 : i32
    %add3A_136 = arith.addi %scan3A_74, %add3A_135 : i32
    %swap3A_137 = arith.index_cast %add3A_136 : i32 to index
    %swap3A_138 = tpu.vector_load %arg8[%swap3A_137] {strides = array<i32>} : memref<10256xi32, #tpu.memory_space<vmem>>, vector<16xi32>,
    tpu.vector_store %arg8[%swap3A_137], %broadcast_in_dim3A_64 {strides = array<i32>} : memref<10256xi32, #tpu.memory_space<vmem>>, vector<16xi32>,
    %add3A_139 = arith.constant 128 : i32
    %add3A_140 = arith.addi %scan3A_74, %add3A_139 : i32
    %swap3A_141 = arith.index_cast %add3A_140 : i32 to index
    %swap3A_142 = tpu.vector_load %arg7[%swap3A_141] {strides = array<i32>} : memref<10256xi32, #tpu.memory_space<vmem>>, vector<16xi32>,
    tpu.vector_store %arg7[%swap3A_141], %broadcast_in_dim3A_5 {strides = array<i32>} : memref<10256xi32, #tpu.memory_space<vmem>>, vector<16xi32>,
    %add3A_143 = arith.constant 128 : i32
    %add3A_144 = arith.addi %scan3A_74, %add3A_143 : i32
    %swap3A_145 = arith.index_cast %add3A_144 : i32 to index
    %swap3A_146 = tpu.vector_load %arg8[%swap3A_145] {strides = array<i32>} : memref<10256xi32, #tpu.memory_space<vmem>>, vector<16xi32>,
    tpu.vector_store %arg8[%swap3A_145], %broadcast_in_dim3A_64 {strides = array<i32>} : memref<10256xi32, #tpu.memory_space<vmem>>, vector<16xi32>,
    %add3A_147 = arith.constant 144 : i32
    %add3A_148 = arith.addi %scan3A_74, %add3A_147 : i32
    %swap3A_149 = arith.index_cast %add3A_148 : i32 to index
    %swap3A_150 = tpu.vector_load %arg7[%swap3A_149] {strides = array<i32>} : memref<10256xi32, #tpu.memory_space<vmem>>, vector<16xi32>,
    tpu.vector_store %arg7[%swap3A_149], %broadcast_in_dim3A_5 {strides = array<i32>} : memref<10256xi32, #tpu.memory_space<vmem>>, vector<16xi32>,
    %add3A_151 = arith.constant 144 : i32
    %add3A_152 = arith.addi %scan3A_74, %add3A_151 : i32
    %swap3A_153 = arith.index_cast %add3A_152 : i32 to index
    %swap3A_154 = tpu.vector_load %arg8[%swap3A_153] {strides = array<i32>} : memref<10256xi32, #tpu.memory_space<vmem>>, vector<16xi32>,
    tpu.vector_store %arg8[%swap3A_153], %broadcast_in_dim3A_64 {strides = array<i32>} : memref<10256xi32, #tpu.memory_space<vmem>>, vector<16xi32>,
    %add3A_155 = arith.constant 160 : i32
    %add3A_156 = arith.addi %scan3A_74, %add3A_155 : i32
    %swap3A_157 = arith.index_cast %add3A_156 : i32 to index
    %swap3A_158 = tpu.vector_load %arg7[%swap3A_157] {strides = array<i32>} : memref<10256xi32, #tpu.memory_space<vmem>>, vector<16xi32>,
    tpu.vector_store %arg7[%swap3A_157], %broadcast_in_dim3A_5 {strides = array<i32>} : memref<10256xi32, #tpu.memory_space<vmem>>, vector<16xi32>,
    %add3A_159 = arith.constant 160 : i32
    %add3A_160 = arith.addi %scan3A_74, %add3A_159 : i32
    %swap3A_161 = arith.index_cast %add3A_160 : i32 to index
    %swap3A_162 = tpu.vector_load %arg8[%swap3A_161] {strides = array<i32>} : memref<10256xi32, #tpu.memory_space<vmem>>, vector<16xi32>,
    tpu.vector_store %arg8[%swap3A_161], %broadcast_in_dim3A_64 {strides = array<i32>} : memref<10256xi32, #tpu.memory_space<vmem>>, vector<16xi32>,
    %add3A_163 = arith.constant 176 : i32
    %add3A_164 = arith.addi %scan3A_74, %add3A_163 : i32
    %swap3A_165 = arith.index_cast %add3A_164 : i32 to index
    %swap3A_166 = tpu.vector_load %arg7[%swap3A_165] {strides = array<i32>} : memref<10256xi32, #tpu.memory_space<vmem>>, vector<16xi32>,
    tpu.vector_store %arg7[%swap3A_165], %broadcast_in_dim3A_5 {strides = array<i32>} : memref<10256xi32, #tpu.memory_space<vmem>>, vector<16xi32>,
    %add3A_167 = arith.constant 176 : i32
    %add3A_168 = arith.addi %scan3A_74, %add3A_167 : i32
    %swap3A_169 = arith.index_cast %add3A_168 : i32 to index
    %swap3A_170 = tpu.vector_load %arg8[%swap3A_169] {strides = array<i32>} : memref<10256xi32, #tpu.memory_space<vmem>>, vector<16xi32>,
    tpu.vector_store %arg8[%swap3A_169], %broadcast_in_dim3A_64 {strides = array<i32>} : memref<10256xi32, #tpu.memory_space<vmem>>, vector<16xi32>,
    %add3A_171 = arith.constant 192 : i32
    %add3A_172 = arith.addi %scan3A_74, %add3A_171 : i32
    %swap3A_173 = arith.index_cast %add3A_172 : i32 to index
    %swap3A_174 = tpu.vector_load %arg7[%swap3A_173] {strides = array<i32>} : memref<10256xi32, #tpu.memory_space<vmem>>, vector<16xi32>,
    tpu.vector_store %arg7[%swap3A_173], %broadcast_in_dim3A_5 {strides = array<i32>} : memref<10256xi32, #tpu.memory_space<vmem>>, vector<16xi32>,
    %add3A_175 = arith.constant 192 : i32
    %add3A_176 = arith.addi %scan3A_74, %add3A_175 : i32
    %swap3A_177 = arith.index_cast %add3A_176 : i32 to index
    %swap3A_178 = tpu.vector_load %arg8[%swap3A_177] {strides = array<i32>} : memref<10256xi32, #tpu.memory_space<vmem>>, vector<16xi32>,
    tpu.vector_store %arg8[%swap3A_177], %broadcast_in_dim3A_64 {strides = array<i32>} : memref<10256xi32, #tpu.memory_space<vmem>>, vector<16xi32>,
    %add3A_179 = arith.constant 208 : i32
    %add3A_180 = arith.addi %scan3A_74, %add3A_179 : i32
    %swap3A_181 = arith.index_cast %add3A_180 : i32 to index
    %swap3A_182 = tpu.vector_load %arg7[%swap3A_181] {strides = array<i32>} : memref<10256xi32, #tpu.memory_space<vmem>>, vector<16xi32>,
    tpu.vector_store %arg7[%swap3A_181], %broadcast_in_dim3A_5 {strides = array<i32>} : memref<10256xi32, #tpu.memory_space<vmem>>, vector<16xi32>,
    %add3A_183 = arith.constant 208 : i32
    %add3A_184 = arith.addi %scan3A_74, %add3A_183 : i32
    %swap3A_185 = arith.index_cast %add3A_184 : i32 to index
    %swap3A_186 = tpu.vector_load %arg8[%swap3A_185] {strides = array<i32>} : memref<10256xi32, #tpu.memory_space<vmem>>, vector<16xi32>,
    tpu.vector_store %arg8[%swap3A_185], %broadcast_in_dim3A_64 {strides = array<i32>} : memref<10256xi32, #tpu.memory_space<vmem>>, vector<16xi32>,
    %add3A_187 = arith.constant 224 : i32
    %add3A_188 = arith.addi %scan3A_74, %add3A_187 : i32
    %swap3A_189 = arith.index_cast %add3A_188 : i32 to index
    %swap3A_190 = tpu.vector_load %arg7[%swap3A_189] {strides = array<i32>} : memref<10256xi32, #tpu.memory_space<vmem>>, vector<16xi32>,
    tpu.vector_store %arg7[%swap3A_189], %broadcast_in_dim3A_5 {strides = array<i32>} : memref<10256xi32, #tpu.memory_space<vmem>>, vector<16xi32>,
    %add3A_191 = arith.constant 224 : i32
    %add3A_192 = arith.addi %scan3A_74, %add3A_191 : i32
    %swap3A_193 = arith.index_cast %add3A_192 : i32 to index
    %swap3A_194 = tpu.vector_load %arg8[%swap3A_193] {strides = array<i32>} : memref<10256xi32, #tpu.memory_space<vmem>>, vector<16xi32>,
    tpu.vector_store %arg8[%swap3A_193], %broadcast_in_dim3A_64 {strides = array<i32>} : memref<10256xi32, #tpu.memory_space<vmem>>, vector<16xi32>,
    %add3A_195 = arith.constant 240 : i32
    %add3A_196 = arith.addi %scan3A_74, %add3A_195 : i32
    %swap3A_197 = arith.index_cast %add3A_196 : i32 to index
    %swap3A_198 = tpu.vector_load %arg7[%swap3A_197] {strides = array<i32>} : memref<10256xi32, #tpu.memory_space<vmem>>, vector<16xi32>,
    tpu.vector_store %arg7[%swap3A_197], %broadcast_in_dim3A_5 {strides = array<i32>} : memref<10256xi32, #tpu.memory_space<vmem>>, vector<16xi32>,
    %add3A_199 = arith.constant 240 : i32
    %add3A_200 = arith.addi %scan3A_74, %add3A_199 : i32
    %swap3A_201 = arith.index_cast %add3A_200 : i32 to index
    %swap3A_202 = tpu.vector_load %arg8[%swap3A_201] {strides = array<i32>} : memref<10256xi32, #tpu.memory_space<vmem>>, vector<16xi32>,
    tpu.vector_store %arg8[%swap3A_201], %broadcast_in_dim3A_64 {strides = array<i32>} : memref<10256xi32, #tpu.memory_space<vmem>>, vector<16xi32>,
    %dma_wait3A = arith.constant 0 : i32
    %dma_wait3A_203 = tpu.memref_slice %arg14[%add3A_21, %dma_wait3A] : memref<10496x128xf32, #tpu.memory_space<vmem_shared>> -> memref<128x128xf32, #tpu.memory_space<vmem_shared>>
    %dma_wait3A_204 = arith.constant 0 : i32
    %dma_wait3A_205 = tpu.memref_slice %arg14[%add3A_21, %dma_wait3A_204] : memref<10496x128xf32, #tpu.memory_space<vmem_shared>> -> memref<128x128xf32, #tpu.memory_space<vmem_shared>>
    tpu.wait_dma2 semaphore(%arg16 : memref<!tpu.dma_semaphore, #tpu.memory_space<semaphore_mem>>) src(%arg12 : memref<128x128xf32, #tpu.memory_space<vmem>>) dst(%dma_wait3A_205 : memref<128x128xf32, #tpu.memory_space<vmem_shared>>)
    %dma_wait3A_206 = arith.constant 0 : i32
    %dma_wait3A_207 = tpu.memref_slice %arg14[%add3A_26, %dma_wait3A_206] : memref<10496x128xf32, #tpu.memory_space<vmem_shared>> -> memref<128x128xf32, #tpu.memory_space<vmem_shared>>
    %dma_wait3A_208 = arith.constant 0 : i32
    %dma_wait3A_209 = tpu.memref_slice %arg14[%add3A_26, %dma_wait3A_208] : memref<10496x128xf32, #tpu.memory_space<vmem_shared>> -> memref<128x128xf32, #tpu.memory_space<vmem_shared>>
    tpu.wait_dma2 semaphore(%arg16 : memref<!tpu.dma_semaphore, #tpu.memory_space<semaphore_mem>>) src(%arg12 : memref<128x128xf32, #tpu.memory_space<vmem>>) dst(%dma_wait3A_209 : memref<128x128xf32, #tpu.memory_space<vmem_shared>>)
    %dma_wait3A_210 = arith.constant 0 : i32
    %dma_wait3A_211 = tpu.memref_slice %arg14[%add3A_32, %dma_wait3A_210] : memref<10496x128xf32, #tpu.memory_space<vmem_shared>> -> memref<128x128xf32, #tpu.memory_space<vmem_shared>>
    %dma_wait3A_212 = arith.constant 0 : i32
    %dma_wait3A_213 = tpu.memref_slice %arg14[%add3A_32, %dma_wait3A_212] : memref<10496x128xf32, #tpu.memory_space<vmem_shared>> -> memref<128x128xf32, #tpu.memory_space<vmem_shared>>
    tpu.wait_dma2 semaphore(%arg16 : memref<!tpu.dma_semaphore, #tpu.memory_space<semaphore_mem>>) src(%arg12 : memref<128x128xf32, #tpu.memory_space<vmem>>) dst(%dma_wait3A_213 : memref<128x128xf32, #tpu.memory_space<vmem_shared>>)
    %dma_wait3A_214 = arith.constant 0 : i32
    %dma_wait3A_215 = tpu.memref_slice %arg14[%add3A_38, %dma_wait3A_214] : memref<10496x128xf32, #tpu.memory_space<vmem_shared>> -> memref<128x128xf32, #tpu.memory_space<vmem_shared>>
    %dma_wait3A_216 = arith.constant 0 : i32
    %dma_wait3A_217 = tpu.memref_slice %arg14[%add3A_38, %dma_wait3A_216] : memref<10496x128xf32, #tpu.memory_space<vmem_shared>> -> memref<128x128xf32, #tpu.memory_space<vmem_shared>>
    tpu.wait_dma2 semaphore(%arg16 : memref<!tpu.dma_semaphore, #tpu.memory_space<semaphore_mem>>) src(%arg12 : memref<128x128xf32, #tpu.memory_space<vmem>>) dst(%dma_wait3A_217 : memref<128x128xf32, #tpu.memory_space<vmem_shared>>)
    %dma_wait3A_218 = arith.constant 0 : i32
    %dma_wait3A_219 = tpu.memref_slice %arg14[%add3A_44, %dma_wait3A_218] : memref<10496x128xf32, #tpu.memory_space<vmem_shared>> -> memref<128x128xf32, #tpu.memory_space<vmem_shared>>
    %dma_wait3A_220 = arith.constant 0 : i32
    %dma_wait3A_221 = tpu.memref_slice %arg14[%add3A_44, %dma_wait3A_220] : memref<10496x128xf32, #tpu.memory_space<vmem_shared>> -> memref<128x128xf32, #tpu.memory_space<vmem_shared>>
    tpu.wait_dma2 semaphore(%arg16 : memref<!tpu.dma_semaphore, #tpu.memory_space<semaphore_mem>>) src(%arg12 : memref<128x128xf32, #tpu.memory_space<vmem>>) dst(%dma_wait3A_221 : memref<128x128xf32, #tpu.memory_space<vmem_shared>>)
    %dma_wait3A_222 = arith.constant 0 : i32
    %dma_wait3A_223 = arith.constant 0 : i32
    %dma_wait3A_224 = tpu.memref_slice %arg12[%dma_wait3A_222, %dma_wait3A_223] : memref<128x128xf32, #tpu.memory_space<vmem>> -> memref<16x128xf32, #tpu.memory_space<vmem>>
    %dma_wait3A_225 = arith.constant 0 : i32
    %dma_wait3A_226 = tpu.memref_slice %arg14[%add3A_50, %dma_wait3A_225] : memref<10496x128xf32, #tpu.memory_space<vmem_shared>> -> memref<16x128xf32, #tpu.memory_space<vmem_shared>>
    %dma_wait3A_227 = arith.constant 0 : i32
    %dma_wait3A_228 = tpu.memref_slice %arg14[%add3A_50, %dma_wait3A_227] : memref<10496x128xf32, #tpu.memory_space<vmem_shared>> -> memref<16x128xf32, #tpu.memory_space<vmem_shared>>
    %dma_wait3A_229 = arith.constant 0 : i32
    %dma_wait3A_230 = arith.constant 0 : i32
    %dma_wait3A_231 = tpu.memref_slice %arg12[%dma_wait3A_229, %dma_wait3A_230] : memref<128x128xf32, #tpu.memory_space<vmem>> -> memref<16x128xf32, #tpu.memory_space<vmem>>
    tpu.wait_dma2 semaphore(%arg16 : memref<!tpu.dma_semaphore, #tpu.memory_space<semaphore_mem>>) src(%dma_wait3A_231 : memref<16x128xf32, #tpu.memory_space<vmem>>) dst(%dma_wait3A_228 : memref<16x128xf32, #tpu.memory_space<vmem_shared>>)
    %barrier3A = arith.constant 0 : index
    tpu.barrier barrier_id(%barrier3A)
    %add3A_232 = arith.constant 63 : i32
    %add3A_233 = arith.addi %scan3A_74, %add3A_232 : i32
    %shift_right_arithmetic3A = arith.constant 6 : i32
    %shift_right_arithmetic3A_234 = arith.shrsi %add3A_233, %shift_right_arithmetic3A : i32
    %while3A = arith.constant 0 : i32
    %while3A_235 = arith.constant 0 : i32
    %while3A_236 = arith.subi %shift_right_arithmetic3A_234, %while3A_235 : i32
    %while3A_237 = arith.addi %while3A_235, %while3A_236 : i32
    %while3A_238 = arith.constant 1 : i32
    %while3A_239 = arith.divsi %while3A_236, %while3A_238 : i32
    %while3A_240 = arith.muli %while3A_239, %while3A_238 : i32
    %while3A_241 = arith.addi %while3A_235, %while3A_240 : i32
    %while3A_242 = arith.constant 1 : i32
    scf.for %while3A_270 = %while3A_235 to %while3A_241 step %while3A_242  : i32 {
      %mul3A_271 = arith.constant 64 : i32
      %mul3A_272 = arith.muli %while3A_270, %mul3A_271 : i32
      %add3A_273 = arith.constant 0 : i32
      %add3A_274 = arith.addi %mul3A_272, %add3A_273 : i32
      %get3A = arith.index_cast %add3A_274 : i32 to index
      %get3A_275 = tpu.vector_load %arg7[%get3A] {strides = array<i32>} : memref<10256xi32, #tpu.memory_space<vmem>>, vector<16xi32>,
      %add3A_276 = arith.constant 0 : i32
      %add3A_277 = arith.addi %mul3A_272, %add3A_276 : i32
      %get3A_278 = arith.index_cast %add3A_277 : i32 to index
      %get3A_279 = tpu.vector_load %arg8[%get3A_278] {strides = array<i32>} : memref<10256xi32, #tpu.memory_space<vmem>>, vector<16xi32>,
      %mul3A_280 = arith.constant 2 : i32
      %mul3A_281 = vector.broadcast %mul3A_280 : i32 to vector<16xi32>
      %mul3A_282 = arith.muli %iota3A, %mul3A_281 : vector<16xi32>
      %add3A_283 = arith.constant 0 : i32
      %add3A_284 = vector.broadcast %add3A_283 : i32 to vector<16xi32>
      %add3A_285 = arith.addi %mul3A_282, %add3A_284 : vector<16xi32>
      %mul3A_286 = arith.constant 2 : i32
      %mul3A_287 = vector.broadcast %mul3A_286 : i32 to vector<16xi32>
      %mul3A_288 = arith.muli %get3A_275, %mul3A_287 : vector<16xi32>
      tpu.vector_store_idx %arg9[%add3A_285], %mul3A_288 : memref<128xi32, #tpu.memory_space<vmem>>[vector<16xi32>], vector<16xi32>,
      %add3A_289 = arith.constant 1 : i32
      %add3A_290 = vector.broadcast %add3A_289 : i32 to vector<16xi32>
      %add3A_291 = arith.addi %add3A_285, %add3A_290 : vector<16xi32>
      %mul3A_292 = arith.constant 2 : i32
      %mul3A_293 = vector.broadcast %mul3A_292 : i32 to vector<16xi32>
      %mul3A_294 = arith.muli %get3A_275, %mul3A_293 : vector<16xi32>
      %add3A_295 = arith.constant 1 : i32
      %add3A_296 = vector.broadcast %add3A_295 : i32 to vector<16xi32>
      %add3A_297 = arith.addi %mul3A_294, %add3A_296 : vector<16xi32>
      tpu.vector_store_idx %arg9[%add3A_291], %add3A_297 : memref<128xi32, #tpu.memory_space<vmem>>[vector<16xi32>], vector<16xi32>,
      %mul3A_298 = arith.constant 2 : i32
      %mul3A_299 = vector.broadcast %mul3A_298 : i32 to vector<16xi32>
      %mul3A_300 = arith.muli %get3A_279, %mul3A_299 : vector<16xi32>
      tpu.vector_store_idx %arg10[%add3A_285], %mul3A_300 : memref<128xi32, #tpu.memory_space<vmem>>[vector<16xi32>], vector<16xi32>,
      %add3A_301 = arith.constant 1 : i32
      %add3A_302 = vector.broadcast %add3A_301 : i32 to vector<16xi32>
      %add3A_303 = arith.addi %add3A_285, %add3A_302 : vector<16xi32>
      %mul3A_304 = arith.constant 2 : i32
      %mul3A_305 = vector.broadcast %mul3A_304 : i32 to vector<16xi32>
      %mul3A_306 = arith.muli %get3A_279, %mul3A_305 : vector<16xi32>
      %add3A_307 = arith.constant 1 : i32
      %add3A_308 = vector.broadcast %add3A_307 : i32 to vector<16xi32>
      %add3A_309 = arith.addi %mul3A_306, %add3A_308 : vector<16xi32>
      tpu.vector_store_idx %arg10[%add3A_303], %add3A_309 : memref<128xi32, #tpu.memory_space<vmem>>[vector<16xi32>], vector<16xi32>,
      %add3A_310 = arith.constant 16 : i32
      %add3A_311 = arith.addi %mul3A_272, %add3A_310 : i32
      %get3A_312 = arith.index_cast %add3A_311 : i32 to index
      %get3A_313 = tpu.vector_load %arg7[%get3A_312] {strides = array<i32>} : memref<10256xi32, #tpu.memory_space<vmem>>, vector<16xi32>,
      %add3A_314 = arith.constant 16 : i32
      %add3A_315 = arith.addi %mul3A_272, %add3A_314 : i32
      %get3A_316 = arith.index_cast %add3A_315 : i32 to index
      %get3A_317 = tpu.vector_load %arg8[%get3A_316] {strides = array<i32>} : memref<10256xi32, #tpu.memory_space<vmem>>, vector<16xi32>,
      %mul3A_318 = arith.constant 2 : i32
      %mul3A_319 = vector.broadcast %mul3A_318 : i32 to vector<16xi32>
      %mul3A_320 = arith.muli %iota3A, %mul3A_319 : vector<16xi32>
      %add3A_321 = arith.constant 32 : i32
      %add3A_322 = vector.broadcast %add3A_321 : i32 to vector<16xi32>
      %add3A_323 = arith.addi %mul3A_320, %add3A_322 : vector<16xi32>
      %mul3A_324 = arith.constant 2 : i32
      %mul3A_325 = vector.broadcast %mul3A_324 : i32 to vector<16xi32>
      %mul3A_326 = arith.muli %get3A_313, %mul3A_325 : vector<16xi32>
      tpu.vector_store_idx %arg9[%add3A_323], %mul3A_326 : memref<128xi32, #tpu.memory_space<vmem>>[vector<16xi32>], vector<16xi32>,
      %add3A_327 = arith.constant 1 : i32
      %add3A_328 = vector.broadcast %add3A_327 : i32 to vector<16xi32>
      %add3A_329 = arith.addi %add3A_323, %add3A_328 : vector<16xi32>
      %mul3A_330 = arith.constant 2 : i32
      %mul3A_331 = vector.broadcast %mul3A_330 : i32 to vector<16xi32>
      %mul3A_332 = arith.muli %get3A_313, %mul3A_331 : vector<16xi32>
      %add3A_333 = arith.constant 1 : i32
      %add3A_334 = vector.broadcast %add3A_333 : i32 to vector<16xi32>
      %add3A_335 = arith.addi %mul3A_332, %add3A_334 : vector<16xi32>
      tpu.vector_store_idx %arg9[%add3A_329], %add3A_335 : memref<128xi32, #tpu.memory_space<vmem>>[vector<16xi32>], vector<16xi32>,
      %mul3A_336 = arith.constant 2 : i32
      %mul3A_337 = vector.broadcast %mul3A_336 : i32 to vector<16xi32>
      %mul3A_338 = arith.muli %get3A_317, %mul3A_337 : vector<16xi32>
      tpu.vector_store_idx %arg10[%add3A_323], %mul3A_338 : memref<128xi32, #tpu.memory_space<vmem>>[vector<16xi32>], vector<16xi32>,
      %add3A_339 = arith.constant 1 : i32
      %add3A_340 = vector.broadcast %add3A_339 : i32 to vector<16xi32>
      %add3A_341 = arith.addi %add3A_323, %add3A_340 : vector<16xi32>
      %mul3A_342 = arith.constant 2 : i32
      %mul3A_343 = vector.broadcast %mul3A_342 : i32 to vector<16xi32>
      %mul3A_344 = arith.muli %get3A_317, %mul3A_343 : vector<16xi32>
      %add3A_345 = arith.constant 1 : i32
      %add3A_346 = vector.broadcast %add3A_345 : i32 to vector<16xi32>
      %add3A_347 = arith.addi %mul3A_344, %add3A_346 : vector<16xi32>
      tpu.vector_store_idx %arg10[%add3A_341], %add3A_347 : memref<128xi32, #tpu.memory_space<vmem>>[vector<16xi32>], vector<16xi32>,
      %add3A_348 = arith.constant 32 : i32
      %add3A_349 = arith.addi %mul3A_272, %add3A_348 : i32
      %get3A_350 = arith.index_cast %add3A_349 : i32 to index
      %get3A_351 = tpu.vector_load %arg7[%get3A_350] {strides = array<i32>} : memref<10256xi32, #tpu.memory_space<vmem>>, vector<16xi32>,
      %add3A_352 = arith.constant 32 : i32
      %add3A_353 = arith.addi %mul3A_272, %add3A_352 : i32
      %get3A_354 = arith.index_cast %add3A_353 : i32 to index
      %get3A_355 = tpu.vector_load %arg8[%get3A_354] {strides = array<i32>} : memref<10256xi32, #tpu.memory_space<vmem>>, vector<16xi32>,
      %mul3A_356 = arith.constant 2 : i32
      %mul3A_357 = vector.broadcast %mul3A_356 : i32 to vector<16xi32>
      %mul3A_358 = arith.muli %iota3A, %mul3A_357 : vector<16xi32>
      %add3A_359 = arith.constant 64 : i32
      %add3A_360 = vector.broadcast %add3A_359 : i32 to vector<16xi32>
      %add3A_361 = arith.addi %mul3A_358, %add3A_360 : vector<16xi32>
      %mul3A_362 = arith.constant 2 : i32
      %mul3A_363 = vector.broadcast %mul3A_362 : i32 to vector<16xi32>
      %mul3A_364 = arith.muli %get3A_351, %mul3A_363 : vector<16xi32>
      tpu.vector_store_idx %arg9[%add3A_361], %mul3A_364 : memref<128xi32, #tpu.memory_space<vmem>>[vector<16xi32>], vector<16xi32>,
      %add3A_365 = arith.constant 1 : i32
      %add3A_366 = vector.broadcast %add3A_365 : i32 to vector<16xi32>
      %add3A_367 = arith.addi %add3A_361, %add3A_366 : vector<16xi32>
      %mul3A_368 = arith.constant 2 : i32
      %mul3A_369 = vector.broadcast %mul3A_368 : i32 to vector<16xi32>
      %mul3A_370 = arith.muli %get3A_351, %mul3A_369 : vector<16xi32>
      %add3A_371 = arith.constant 1 : i32
      %add3A_372 = vector.broadcast %add3A_371 : i32 to vector<16xi32>
      %add3A_373 = arith.addi %mul3A_370, %add3A_372 : vector<16xi32>
      tpu.vector_store_idx %arg9[%add3A_367], %add3A_373 : memref<128xi32, #tpu.memory_space<vmem>>[vector<16xi32>], vector<16xi32>,
      %mul3A_374 = arith.constant 2 : i32
      %mul3A_375 = vector.broadcast %mul3A_374 : i32 to vector<16xi32>
      %mul3A_376 = arith.muli %get3A_355, %mul3A_375 : vector<16xi32>
      tpu.vector_store_idx %arg10[%add3A_361], %mul3A_376 : memref<128xi32, #tpu.memory_space<vmem>>[vector<16xi32>], vector<16xi32>,
      %add3A_377 = arith.constant 1 : i32
      %add3A_378 = vector.broadcast %add3A_377 : i32 to vector<16xi32>
      %add3A_379 = arith.addi %add3A_361, %add3A_378 : vector<16xi32>
      %mul3A_380 = arith.constant 2 : i32
      %mul3A_381 = vector.broadcast %mul3A_380 : i32 to vector<16xi32>
      %mul3A_382 = arith.muli %get3A_355, %mul3A_381 : vector<16xi32>
      %add3A_383 = arith.constant 1 : i32
      %add3A_384 = vector.broadcast %add3A_383 : i32 to vector<16xi32>
      %add3A_385 = arith.addi %mul3A_382, %add3A_384 : vector<16xi32>
      tpu.vector_store_idx %arg10[%add3A_379], %add3A_385 : memref<128xi32, #tpu.memory_space<vmem>>[vector<16xi32>], vector<16xi32>,
      %add3A_386 = arith.constant 48 : i32
      %add3A_387 = arith.addi %mul3A_272, %add3A_386 : i32
      %get3A_388 = arith.index_cast %add3A_387 : i32 to index
      %get3A_389 = tpu.vector_load %arg7[%get3A_388] {strides = array<i32>} : memref<10256xi32, #tpu.memory_space<vmem>>, vector<16xi32>,
      %add3A_390 = arith.constant 48 : i32
      %add3A_391 = arith.addi %mul3A_272, %add3A_390 : i32
      %get3A_392 = arith.index_cast %add3A_391 : i32 to index
      %get3A_393 = tpu.vector_load %arg8[%get3A_392] {strides = array<i32>} : memref<10256xi32, #tpu.memory_space<vmem>>, vector<16xi32>,
      %mul3A_394 = arith.constant 2 : i32
      %mul3A_395 = vector.broadcast %mul3A_394 : i32 to vector<16xi32>
      %mul3A_396 = arith.muli %iota3A, %mul3A_395 : vector<16xi32>
      %add3A_397 = arith.constant 96 : i32
      %add3A_398 = vector.broadcast %add3A_397 : i32 to vector<16xi32>
      %add3A_399 = arith.addi %mul3A_396, %add3A_398 : vector<16xi32>
      %mul3A_400 = arith.constant 2 : i32
      %mul3A_401 = vector.broadcast %mul3A_400 : i32 to vector<16xi32>
      %mul3A_402 = arith.muli %get3A_389, %mul3A_401 : vector<16xi32>
      tpu.vector_store_idx %arg9[%add3A_399], %mul3A_402 : memref<128xi32, #tpu.memory_space<vmem>>[vector<16xi32>], vector<16xi32>,
      %add3A_403 = arith.constant 1 : i32
      %add3A_404 = vector.broadcast %add3A_403 : i32 to vector<16xi32>
      %add3A_405 = arith.addi %add3A_399, %add3A_404 : vector<16xi32>
      %mul3A_406 = arith.constant 2 : i32
      %mul3A_407 = vector.broadcast %mul3A_406 : i32 to vector<16xi32>
      %mul3A_408 = arith.muli %get3A_389, %mul3A_407 : vector<16xi32>
      %add3A_409 = arith.constant 1 : i32
      %add3A_410 = vector.broadcast %add3A_409 : i32 to vector<16xi32>
      %add3A_411 = arith.addi %mul3A_408, %add3A_410 : vector<16xi32>
      tpu.vector_store_idx %arg9[%add3A_405], %add3A_411 : memref<128xi32, #tpu.memory_space<vmem>>[vector<16xi32>], vector<16xi32>,
      %mul3A_412 = arith.constant 2 : i32
      %mul3A_413 = vector.broadcast %mul3A_412 : i32 to vector<16xi32>
      %mul3A_414 = arith.muli %get3A_393, %mul3A_413 : vector<16xi32>
      tpu.vector_store_idx %arg10[%add3A_399], %mul3A_414 : memref<128xi32, #tpu.memory_space<vmem>>[vector<16xi32>], vector<16xi32>,
      %add3A_415 = arith.constant 1 : i32
      %add3A_416 = vector.broadcast %add3A_415 : i32 to vector<16xi32>
      %add3A_417 = arith.addi %add3A_399, %add3A_416 : vector<16xi32>
      %mul3A_418 = arith.constant 2 : i32
      %mul3A_419 = vector.broadcast %mul3A_418 : i32 to vector<16xi32>
      %mul3A_420 = arith.muli %get3A_393, %mul3A_419 : vector<16xi32>
      %add3A_421 = arith.constant 1 : i32
      %add3A_422 = vector.broadcast %add3A_421 : i32 to vector<16xi32>
      %add3A_423 = arith.addi %mul3A_420, %add3A_422 : vector<16xi32>
      tpu.vector_store_idx %arg10[%add3A_417], %add3A_423 : memref<128xi32, #tpu.memory_space<vmem>>[vector<16xi32>], vector<16xi32>,
      %dma_start3A_424 = arith.constant 0 : i32
      %dma_start3A_425 = arith.constant 0 : i32
      %dma_start3A_426 = tpu.memref_slice %arg2[%dma_start3A_424, %dma_start3A_425] : memref<20000x128xf32, #tpu.memory_space<hbm>> -> memref<20000x128xf32, #tpu.memory_space<hbm>>
      tpu.enqueue_indirect_dma source(%dma_start3A_426 : memref<20000x128xf32, #tpu.memory_space<hbm>>) target(%arg12 : memref<128x128xf32, #tpu.memory_space<vmem>>) offsets(%arg9 : memref<128xi32, #tpu.memory_space<vmem>>) semaphore(%arg16 : memref<!tpu.dma_semaphore, #tpu.memory_space<semaphore_mem>>)
      %dma_wait3A_427 = arith.constant 0 : i32
      %dma_wait3A_428 = arith.constant 0 : i32
      %dma_wait3A_429 = tpu.memref_slice %arg2[%dma_wait3A_427, %dma_wait3A_428] : memref<20000x128xf32, #tpu.memory_space<hbm>> -> memref<20000x128xf32, #tpu.memory_space<hbm>>
      tpu.wait_indirect_dma semaphore(%arg16 : memref<!tpu.dma_semaphore, #tpu.memory_space<semaphore_mem>>) src(%dma_wait3A_429 : memref<20000x128xf32, #tpu.memory_space<hbm>>) dst(%arg12 : memref<128x128xf32, #tpu.memory_space<vmem>>)
      "tpu.region"() ({
        %run_scoped3A = tpu.sem_alloc : memref<!tpu.dma_semaphore, #tpu.memory_space<semaphore_mem>>
        %dma_start3A_430 = arith.constant 0 : i32
        %dma_start3A_431 = arith.constant 0 : i32
        %dma_start3A_432 = tpu.memref_slice %arg14[%dma_start3A_430, %dma_start3A_431] : memref<10496x128xf32, #tpu.memory_space<vmem_shared>> -> memref<10496x128xf32, #tpu.memory_space<vmem_shared>>
        tpu.enqueue_indirect_dma source(%arg12 : memref<128x128xf32, #tpu.memory_space<vmem>>) target(%dma_start3A_432 : memref<10496x128xf32, #tpu.memory_space<vmem_shared>>) offsets(%arg10 : memref<128xi32, #tpu.memory_space<vmem>>) semaphore(%run_scoped3A : memref<!tpu.dma_semaphore, #tpu.memory_space<semaphore_mem>>) {add = true}
        %dma_wait3A_433 = arith.constant 0 : i32
        %dma_wait3A_434 = arith.constant 0 : i32
        %dma_wait3A_435 = tpu.memref_slice %arg14[%dma_wait3A_433, %dma_wait3A_434] : memref<10496x128xf32, #tpu.memory_space<vmem_shared>> -> memref<10496x128xf32, #tpu.memory_space<vmem_shared>>
        tpu.wait_indirect_dma semaphore(%run_scoped3A : memref<!tpu.dma_semaphore, #tpu.memory_space<semaphore_mem>>) src(%arg12 : memref<128x128xf32, #tpu.memory_space<vmem>>) dst(%dma_wait3A_435 : memref<10496x128xf32, #tpu.memory_space<vmem_shared>>)
        tpu.yield
      }) : () -> ()
    }
    %while3A_243 = arith.constant 1 : i32
    scf.for %while3A_270 = %while3A_241 to %while3A_237 step %while3A_243  : i32 {
      %mul3A_271 = arith.constant 64 : i32
      %mul3A_272 = arith.muli %while3A_270, %mul3A_271 : i32
      %add3A_273 = arith.constant 0 : i32
      %add3A_274 = arith.addi %mul3A_272, %add3A_273 : i32
      %get3A = arith.index_cast %add3A_274 : i32 to index
      %get3A_275 = tpu.vector_load %arg7[%get3A] {strides = array<i32>} : memref<10256xi32, #tpu.memory_space<vmem>>, vector<16xi32>,
      %add3A_276 = arith.constant 0 : i32
      %add3A_277 = arith.addi %mul3A_272, %add3A_276 : i32
      %get3A_278 = arith.index_cast %add3A_277 : i32 to index
      %get3A_279 = tpu.vector_load %arg8[%get3A_278] {strides = array<i32>} : memref<10256xi32, #tpu.memory_space<vmem>>, vector<16xi32>,
      %mul3A_280 = arith.constant 2 : i32
      %mul3A_281 = vector.broadcast %mul3A_280 : i32 to vector<16xi32>
      %mul3A_282 = arith.muli %iota3A, %mul3A_281 : vector<16xi32>
      %add3A_283 = arith.constant 0 : i32
      %add3A_284 = vector.broadcast %add3A_283 : i32 to vector<16xi32>
      %add3A_285 = arith.addi %mul3A_282, %add3A_284 : vector<16xi32>
      %mul3A_286 = arith.constant 2 : i32
      %mul3A_287 = vector.broadcast %mul3A_286 : i32 to vector<16xi32>
      %mul3A_288 = arith.muli %get3A_275, %mul3A_287 : vector<16xi32>
      tpu.vector_store_idx %arg9[%add3A_285], %mul3A_288 : memref<128xi32, #tpu.memory_space<vmem>>[vector<16xi32>], vector<16xi32>,
      %add3A_289 = arith.constant 1 : i32
      %add3A_290 = vector.broadcast %add3A_289 : i32 to vector<16xi32>
      %add3A_291 = arith.addi %add3A_285, %add3A_290 : vector<16xi32>
      %mul3A_292 = arith.constant 2 : i32
      %mul3A_293 = vector.broadcast %mul3A_292 : i32 to vector<16xi32>
      %mul3A_294 = arith.muli %get3A_275, %mul3A_293 : vector<16xi32>
      %add3A_295 = arith.constant 1 : i32
      %add3A_296 = vector.broadcast %add3A_295 : i32 to vector<16xi32>
      %add3A_297 = arith.addi %mul3A_294, %add3A_296 : vector<16xi32>
      tpu.vector_store_idx %arg9[%add3A_291], %add3A_297 : memref<128xi32, #tpu.memory_space<vmem>>[vector<16xi32>], vector<16xi32>,
      %mul3A_298 = arith.constant 2 : i32
      %mul3A_299 = vector.broadcast %mul3A_298 : i32 to vector<16xi32>
      %mul3A_300 = arith.muli %get3A_279, %mul3A_299 : vector<16xi32>
      tpu.vector_store_idx %arg10[%add3A_285], %mul3A_300 : memref<128xi32, #tpu.memory_space<vmem>>[vector<16xi32>], vector<16xi32>,
      %add3A_301 = arith.constant 1 : i32
      %add3A_302 = vector.broadcast %add3A_301 : i32 to vector<16xi32>
      %add3A_303 = arith.addi %add3A_285, %add3A_302 : vector<16xi32>
      %mul3A_304 = arith.constant 2 : i32
      %mul3A_305 = vector.broadcast %mul3A_304 : i32 to vector<16xi32>
      %mul3A_306 = arith.muli %get3A_279, %mul3A_305 : vector<16xi32>
      %add3A_307 = arith.constant 1 : i32
      %add3A_308 = vector.broadcast %add3A_307 : i32 to vector<16xi32>
      %add3A_309 = arith.addi %mul3A_306, %add3A_308 : vector<16xi32>
      tpu.vector_store_idx %arg10[%add3A_303], %add3A_309 : memref<128xi32, #tpu.memory_space<vmem>>[vector<16xi32>], vector<16xi32>,
      %add3A_310 = arith.constant 16 : i32
      %add3A_311 = arith.addi %mul3A_272, %add3A_310 : i32
      %get3A_312 = arith.index_cast %add3A_311 : i32 to index
      %get3A_313 = tpu.vector_load %arg7[%get3A_312] {strides = array<i32>} : memref<10256xi32, #tpu.memory_space<vmem>>, vector<16xi32>,
      %add3A_314 = arith.constant 16 : i32
      %add3A_315 = arith.addi %mul3A_272, %add3A_314 : i32
      %get3A_316 = arith.index_cast %add3A_315 : i32 to index
      %get3A_317 = tpu.vector_load %arg8[%get3A_316] {strides = array<i32>} : memref<10256xi32, #tpu.memory_space<vmem>>, vector<16xi32>,
      %mul3A_318 = arith.constant 2 : i32
      %mul3A_319 = vector.broadcast %mul3A_318 : i32 to vector<16xi32>
      %mul3A_320 = arith.muli %iota3A, %mul3A_319 : vector<16xi32>
      %add3A_321 = arith.constant 32 : i32
      %add3A_322 = vector.broadcast %add3A_321 : i32 to vector<16xi32>
      %add3A_323 = arith.addi %mul3A_320, %add3A_322 : vector<16xi32>
      %mul3A_324 = arith.constant 2 : i32
      %mul3A_325 = vector.broadcast %mul3A_324 : i32 to vector<16xi32>
      %mul3A_326 = arith.muli %get3A_313, %mul3A_325 : vector<16xi32>
      tpu.vector_store_idx %arg9[%add3A_323], %mul3A_326 : memref<128xi32, #tpu.memory_space<vmem>>[vector<16xi32>], vector<16xi32>,
      %add3A_327 = arith.constant 1 : i32
      %add3A_328 = vector.broadcast %add3A_327 : i32 to vector<16xi32>
      %add3A_329 = arith.addi %add3A_323, %add3A_328 : vector<16xi32>
      %mul3A_330 = arith.constant 2 : i32
      %mul3A_331 = vector.broadcast %mul3A_330 : i32 to vector<16xi32>
      %mul3A_332 = arith.muli %get3A_313, %mul3A_331 : vector<16xi32>
      %add3A_333 = arith.constant 1 : i32
      %add3A_334 = vector.broadcast %add3A_333 : i32 to vector<16xi32>
      %add3A_335 = arith.addi %mul3A_332, %add3A_334 : vector<16xi32>
      tpu.vector_store_idx %arg9[%add3A_329], %add3A_335 : memref<128xi32, #tpu.memory_space<vmem>>[vector<16xi32>], vector<16xi32>,
      %mul3A_336 = arith.constant 2 : i32
      %mul3A_337 = vector.broadcast %mul3A_336 : i32 to vector<16xi32>
      %mul3A_338 = arith.muli %get3A_317, %mul3A_337 : vector<16xi32>
      tpu.vector_store_idx %arg10[%add3A_323], %mul3A_338 : memref<128xi32, #tpu.memory_space<vmem>>[vector<16xi32>], vector<16xi32>,
      %add3A_339 = arith.constant 1 : i32
      %add3A_340 = vector.broadcast %add3A_339 : i32 to vector<16xi32>
      %add3A_341 = arith.addi %add3A_323, %add3A_340 : vector<16xi32>
      %mul3A_342 = arith.constant 2 : i32
      %mul3A_343 = vector.broadcast %mul3A_342 : i32 to vector<16xi32>
      %mul3A_344 = arith.muli %get3A_317, %mul3A_343 : vector<16xi32>
      %add3A_345 = arith.constant 1 : i32
      %add3A_346 = vector.broadcast %add3A_345 : i32 to vector<16xi32>
      %add3A_347 = arith.addi %mul3A_344, %add3A_346 : vector<16xi32>
      tpu.vector_store_idx %arg10[%add3A_341], %add3A_347 : memref<128xi32, #tpu.memory_space<vmem>>[vector<16xi32>], vector<16xi32>,
      %add3A_348 = arith.constant 32 : i32
      %add3A_349 = arith.addi %mul3A_272, %add3A_348 : i32
      %get3A_350 = arith.index_cast %add3A_349 : i32 to index
      %get3A_351 = tpu.vector_load %arg7[%get3A_350] {strides = array<i32>} : memref<10256xi32, #tpu.memory_space<vmem>>, vector<16xi32>,
      %add3A_352 = arith.constant 32 : i32
      %add3A_353 = arith.addi %mul3A_272, %add3A_352 : i32
      %get3A_354 = arith.index_cast %add3A_353 : i32 to index
      %get3A_355 = tpu.vector_load %arg8[%get3A_354] {strides = array<i32>} : memref<10256xi32, #tpu.memory_space<vmem>>, vector<16xi32>,
      %mul3A_356 = arith.constant 2 : i32
      %mul3A_357 = vector.broadcast %mul3A_356 : i32 to vector<16xi32>
      %mul3A_358 = arith.muli %iota3A, %mul3A_357 : vector<16xi32>
      %add3A_359 = arith.constant 64 : i32
      %add3A_360 = vector.broadcast %add3A_359 : i32 to vector<16xi32>
      %add3A_361 = arith.addi %mul3A_358, %add3A_360 : vector<16xi32>
      %mul3A_362 = arith.constant 2 : i32
      %mul3A_363 = vector.broadcast %mul3A_362 : i32 to vector<16xi32>
      %mul3A_364 = arith.muli %get3A_351, %mul3A_363 : vector<16xi32>
      tpu.vector_store_idx %arg9[%add3A_361], %mul3A_364 : memref<128xi32, #tpu.memory_space<vmem>>[vector<16xi32>], vector<16xi32>,
      %add3A_365 = arith.constant 1 : i32
      %add3A_366 = vector.broadcast %add3A_365 : i32 to vector<16xi32>
      %add3A_367 = arith.addi %add3A_361, %add3A_366 : vector<16xi32>
      %mul3A_368 = arith.constant 2 : i32
      %mul3A_369 = vector.broadcast %mul3A_368 : i32 to vector<16xi32>
      %mul3A_370 = arith.muli %get3A_351, %mul3A_369 : vector<16xi32>
      %add3A_371 = arith.constant 1 : i32
      %add3A_372 = vector.broadcast %add3A_371 : i32 to vector<16xi32>
      %add3A_373 = arith.addi %mul3A_370, %add3A_372 : vector<16xi32>
      tpu.vector_store_idx %arg9[%add3A_367], %add3A_373 : memref<128xi32, #tpu.memory_space<vmem>>[vector<16xi32>], vector<16xi32>,
      %mul3A_374 = arith.constant 2 : i32
      %mul3A_375 = vector.broadcast %mul3A_374 : i32 to vector<16xi32>
      %mul3A_376 = arith.muli %get3A_355, %mul3A_375 : vector<16xi32>
      tpu.vector_store_idx %arg10[%add3A_361], %mul3A_376 : memref<128xi32, #tpu.memory_space<vmem>>[vector<16xi32>], vector<16xi32>,
      %add3A_377 = arith.constant 1 : i32
      %add3A_378 = vector.broadcast %add3A_377 : i32 to vector<16xi32>
      %add3A_379 = arith.addi %add3A_361, %add3A_378 : vector<16xi32>
      %mul3A_380 = arith.constant 2 : i32
      %mul3A_381 = vector.broadcast %mul3A_380 : i32 to vector<16xi32>
      %mul3A_382 = arith.muli %get3A_355, %mul3A_381 : vector<16xi32>
      %add3A_383 = arith.constant 1 : i32
      %add3A_384 = vector.broadcast %add3A_383 : i32 to vector<16xi32>
      %add3A_385 = arith.addi %mul3A_382, %add3A_384 : vector<16xi32>
      tpu.vector_store_idx %arg10[%add3A_379], %add3A_385 : memref<128xi32, #tpu.memory_space<vmem>>[vector<16xi32>], vector<16xi32>,
      %add3A_386 = arith.constant 48 : i32
      %add3A_387 = arith.addi %mul3A_272, %add3A_386 : i32
      %get3A_388 = arith.index_cast %add3A_387 : i32 to index
      %get3A_389 = tpu.vector_load %arg7[%get3A_388] {strides = array<i32>} : memref<10256xi32, #tpu.memory_space<vmem>>, vector<16xi32>,
      %add3A_390 = arith.constant 48 : i32
      %add3A_391 = arith.addi %mul3A_272, %add3A_390 : i32
      %get3A_392 = arith.index_cast %add3A_391 : i32 to index
      %get3A_393 = tpu.vector_load %arg8[%get3A_392] {strides = array<i32>} : memref<10256xi32, #tpu.memory_space<vmem>>, vector<16xi32>,
      %mul3A_394 = arith.constant 2 : i32
      %mul3A_395 = vector.broadcast %mul3A_394 : i32 to vector<16xi32>
      %mul3A_396 = arith.muli %iota3A, %mul3A_395 : vector<16xi32>
      %add3A_397 = arith.constant 96 : i32
      %add3A_398 = vector.broadcast %add3A_397 : i32 to vector<16xi32>
      %add3A_399 = arith.addi %mul3A_396, %add3A_398 : vector<16xi32>
      %mul3A_400 = arith.constant 2 : i32
      %mul3A_401 = vector.broadcast %mul3A_400 : i32 to vector<16xi32>
      %mul3A_402 = arith.muli %get3A_389, %mul3A_401 : vector<16xi32>
      tpu.vector_store_idx %arg9[%add3A_399], %mul3A_402 : memref<128xi32, #tpu.memory_space<vmem>>[vector<16xi32>], vector<16xi32>,
      %add3A_403 = arith.constant 1 : i32
      %add3A_404 = vector.broadcast %add3A_403 : i32 to vector<16xi32>
      %add3A_405 = arith.addi %add3A_399, %add3A_404 : vector<16xi32>
      %mul3A_406 = arith.constant 2 : i32
      %mul3A_407 = vector.broadcast %mul3A_406 : i32 to vector<16xi32>
      %mul3A_408 = arith.muli %get3A_389, %mul3A_407 : vector<16xi32>
      %add3A_409 = arith.constant 1 : i32
      %add3A_410 = vector.broadcast %add3A_409 : i32 to vector<16xi32>
      %add3A_411 = arith.addi %mul3A_408, %add3A_410 : vector<16xi32>
      tpu.vector_store_idx %arg9[%add3A_405], %add3A_411 : memref<128xi32, #tpu.memory_space<vmem>>[vector<16xi32>], vector<16xi32>,
      %mul3A_412 = arith.constant 2 : i32
      %mul3A_413 = vector.broadcast %mul3A_412 : i32 to vector<16xi32>
      %mul3A_414 = arith.muli %get3A_393, %mul3A_413 : vector<16xi32>
      tpu.vector_store_idx %arg10[%add3A_399], %mul3A_414 : memref<128xi32, #tpu.memory_space<vmem>>[vector<16xi32>], vector<16xi32>,
      %add3A_415 = arith.constant 1 : i32
      %add3A_416 = vector.broadcast %add3A_415 : i32 to vector<16xi32>
      %add3A_417 = arith.addi %add3A_399, %add3A_416 : vector<16xi32>
      %mul3A_418 = arith.constant 2 : i32
      %mul3A_419 = vector.broadcast %mul3A_418 : i32 to vector<16xi32>
      %mul3A_420 = arith.muli %get3A_393, %mul3A_419 : vector<16xi32>
      %add3A_421 = arith.constant 1 : i32
      %add3A_422 = vector.broadcast %add3A_421 : i32 to vector<16xi32>
      %add3A_423 = arith.addi %mul3A_420, %add3A_422 : vector<16xi32>
      tpu.vector_store_idx %arg10[%add3A_417], %add3A_423 : memref<128xi32, #tpu.memory_space<vmem>>[vector<16xi32>], vector<16xi32>,
      %dma_start3A_424 = arith.constant 0 : i32
      %dma_start3A_425 = arith.constant 0 : i32
      %dma_start3A_426 = tpu.memref_slice %arg2[%dma_start3A_424, %dma_start3A_425] : memref<20000x128xf32, #tpu.memory_space<hbm>> -> memref<20000x128xf32, #tpu.memory_space<hbm>>
      tpu.enqueue_indirect_dma source(%dma_start3A_426 : memref<20000x128xf32, #tpu.memory_space<hbm>>) target(%arg12 : memref<128x128xf32, #tpu.memory_space<vmem>>) offsets(%arg9 : memref<128xi32, #tpu.memory_space<vmem>>) semaphore(%arg16 : memref<!tpu.dma_semaphore, #tpu.memory_space<semaphore_mem>>)
      %dma_wait3A_427 = arith.constant 0 : i32
      %dma_wait3A_428 = arith.constant 0 : i32
      %dma_wait3A_429 = tpu.memref_slice %arg2[%dma_wait3A_427, %dma_wait3A_428] : memref<20000x128xf32, #tpu.memory_space<hbm>> -> memref<20000x128xf32, #tpu.memory_space<hbm>>
      tpu.wait_indirect_dma semaphore(%arg16 : memref<!tpu.dma_semaphore, #tpu.memory_space<semaphore_mem>>) src(%dma_wait3A_429 : memref<20000x128xf32, #tpu.memory_space<hbm>>) dst(%arg12 : memref<128x128xf32, #tpu.memory_space<vmem>>)
      "tpu.region"() ({
        %run_scoped3A = tpu.sem_alloc : memref<!tpu.dma_semaphore, #tpu.memory_space<semaphore_mem>>
        %dma_start3A_430 = arith.constant 0 : i32
        %dma_start3A_431 = arith.constant 0 : i32
        %dma_start3A_432 = tpu.memref_slice %arg14[%dma_start3A_430, %dma_start3A_431] : memref<10496x128xf32, #tpu.memory_space<vmem_shared>> -> memref<10496x128xf32, #tpu.memory_space<vmem_shared>>
        tpu.enqueue_indirect_dma source(%arg12 : memref<128x128xf32, #tpu.memory_space<vmem>>) target(%dma_start3A_432 : memref<10496x128xf32, #tpu.memory_space<vmem_shared>>) offsets(%arg10 : memref<128xi32, #tpu.memory_space<vmem>>) semaphore(%run_scoped3A : memref<!tpu.dma_semaphore, #tpu.memory_space<semaphore_mem>>) {add = true}
        %dma_wait3A_433 = arith.constant 0 : i32
        %dma_wait3A_434 = arith.constant 0 : i32
        %dma_wait3A_435 = tpu.memref_slice %arg14[%dma_wait3A_433, %dma_wait3A_434] : memref<10496x128xf32, #tpu.memory_space<vmem_shared>> -> memref<10496x128xf32, #tpu.memory_space<vmem_shared>>
        tpu.wait_indirect_dma semaphore(%run_scoped3A : memref<!tpu.dma_semaphore, #tpu.memory_space<semaphore_mem>>) src(%arg12 : memref<128x128xf32, #tpu.memory_space<vmem>>) dst(%dma_wait3A_435 : memref<10496x128xf32, #tpu.memory_space<vmem_shared>>)
        tpu.yield
      }) : () -> ()
    }
    %add3A_244 = arith.constant 0 : i32
    %add3A_245 = vector.broadcast %add3A_244 : i32 to vector<16xi32>
    %add3A_246 = arith.addi %iota3A, %add3A_245 : vector<16xi32>
    %swap3A_247 = arith.constant 0 : index
    %swap3A_248 = tpu.vector_load %arg11[%swap3A_247] {strides = array<i32>} : memref<40xi32, #tpu.memory_space<vmem>>, vector<16xi32>,
    tpu.vector_store %arg11[%swap3A_247], %add3A_246 {strides = array<i32>} : memref<40xi32, #tpu.memory_space<vmem>>, vector<16xi32>,
    %add3A_249 = arith.constant 16 : i32
    %add3A_250 = vector.broadcast %add3A_249 : i32 to vector<16xi32>
    %add3A_251 = arith.addi %iota3A, %add3A_250 : vector<16xi32>
    %swap3A_252 = arith.constant 16 : index
    %swap3A_253 = tpu.vector_load %arg11[%swap3A_252] {strides = array<i32>} : memref<40xi32, #tpu.memory_space<vmem>>, vector<16xi32>,
    tpu.vector_store %arg11[%swap3A_252], %add3A_251 {strides = array<i32>} : memref<40xi32, #tpu.memory_space<vmem>>, vector<16xi32>,
    %add3A_254 = arith.constant 24 : i32
    %add3A_255 = vector.broadcast %add3A_254 : i32 to vector<16xi32>
    %add3A_256 = arith.addi %iota3A, %add3A_255 : vector<16xi32>
    %swap3A_257 = arith.constant 24 : index
    %swap3A_258 = tpu.vector_load %arg11[%swap3A_257] {strides = array<i32>} : memref<40xi32, #tpu.memory_space<vmem>>, vector<16xi32>,
    tpu.vector_store %arg11[%swap3A_257], %add3A_256 {strides = array<i32>} : memref<40xi32, #tpu.memory_space<vmem>>, vector<16xi32>,
    "tpu.region"() ({
      %run_scoped3A = tpu.sem_alloc : memref<!tpu.dma_semaphore, #tpu.memory_space<semaphore_mem>>
      %dma_start3A_270 = arith.constant 0 : i32
      %dma_start3A_271 = arith.constant 0 : i32
      %dma_start3A_272 = tpu.memref_slice %arg15[%dma_start3A_270, %dma_start3A_271] : memref<40x128xf32, #tpu.memory_space<vmem_shared>> -> memref<40x128xf32, #tpu.memory_space<vmem_shared>>
      tpu.enqueue_indirect_dma source(%arg13 : memref<40x128xf32, #tpu.memory_space<vmem>>) target(%dma_start3A_272 : memref<40x128xf32, #tpu.memory_space<vmem_shared>>) offsets(%arg11 : memref<40xi32, #tpu.memory_space<vmem>>) semaphore(%run_scoped3A : memref<!tpu.dma_semaphore, #tpu.memory_space<semaphore_mem>>) {add = true}
      %dma_wait3A_273 = arith.constant 0 : i32
      %dma_wait3A_274 = arith.constant 0 : i32
      %dma_wait3A_275 = tpu.memref_slice %arg15[%dma_wait3A_273, %dma_wait3A_274] : memref<40x128xf32, #tpu.memory_space<vmem_shared>> -> memref<40x128xf32, #tpu.memory_space<vmem_shared>>
      tpu.wait_indirect_dma semaphore(%run_scoped3A : memref<!tpu.dma_semaphore, #tpu.memory_space<semaphore_mem>>) src(%arg13 : memref<40x128xf32, #tpu.memory_space<vmem>>) dst(%dma_wait3A_275 : memref<40x128xf32, #tpu.memory_space<vmem_shared>>)
      tpu.yield
    }) : () -> ()
    %barrier3A_259 = arith.constant 0 : index
    tpu.barrier barrier_id(%barrier3A_259)
    %mul3A_260 = arith.constant 640 : i32
    %mul3A_261 = arith.muli %arg1, %mul3A_260 : i32
    %mul3A_262 = arith.constant 2 : i32
    %mul3A_263 = arith.muli %mul3A_262, %mul3A_0 : i32
    %add3A_264 = arith.addi %mul3A_263, %mul3A_261 : i32
    "tpu.region"() ({
      %run_scoped3A = tpu.sem_alloc : memref<!tpu.dma_semaphore, #tpu.memory_space<semaphore_mem>>
      %dma_start3A_270 = arith.constant 0 : i32
      %dma_start3A_271 = tpu.memref_slice %arg5[%add3A_264, %dma_start3A_270] : memref<20480x128xf32, #tpu.memory_space<hbm>> -> memref<640x128xf32, #tpu.memory_space<hbm>>
      %dma_start3A_272 = arith.constant 0 : i32
      %dma_start3A_273 = tpu.memref_slice %arg14[%mul3A_261, %dma_start3A_272] : memref<10496x128xf32, #tpu.memory_space<vmem_shared>> -> memref<640x128xf32, #tpu.memory_space<vmem_shared>>
      tpu.enqueue_dma source(%dma_start3A_273 : memref<640x128xf32, #tpu.memory_space<vmem_shared>>) target(%dma_start3A_271 : memref<640x128xf32, #tpu.memory_space<hbm>>) target_semaphore(%run_scoped3A : memref<!tpu.dma_semaphore, #tpu.memory_space<semaphore_mem>>)
      %dma_wait3A_274 = arith.constant 0 : i32
      %dma_wait3A_275 = tpu.memref_slice %arg5[%add3A_264, %dma_wait3A_274] : memref<20480x128xf32, #tpu.memory_space<hbm>> -> memref<640x128xf32, #tpu.memory_space<hbm>>
      %dma_wait3A_276 = arith.constant 0 : i32
      %dma_wait3A_277 = tpu.memref_slice %arg14[%mul3A_261, %dma_wait3A_276] : memref<10496x128xf32, #tpu.memory_space<vmem_shared>> -> memref<640x128xf32, #tpu.memory_space<vmem_shared>>
      tpu.wait_dma2 semaphore(%run_scoped3A : memref<!tpu.dma_semaphore, #tpu.memory_space<semaphore_mem>>) src(%dma_wait3A_277 : memref<640x128xf32, #tpu.memory_space<vmem_shared>>) dst(%dma_wait3A_275 : memref<640x128xf32, #tpu.memory_space<hbm>>)
      tpu.yield
    }) : () -> ()
    %eq3A_265 = arith.constant 0 : i32
    %eq3A_266 = arith.cmpi eq, %arg1, %eq3A_265 : i32
    %convert_element_type3A_267 = arith.extui %eq3A_266 : i1 to i32
    %cond3A_268 = arith.constant 0 : i32
    %cond3A_269 = arith.cmpi ne, %convert_element_type3A_267, %cond3A_268 : i32
    scf.if %cond3A_269 {
      %mul3A_270 = arith.constant 40 : i32
      %mul3A_271 = arith.muli %arg0, %mul3A_270 : i32
      "tpu.region"() ({
        %run_scoped3A = tpu.sem_alloc : memref<!tpu.dma_semaphore, #tpu.memory_space<semaphore_mem>>
        %dma_start3A_272 = arith.constant 0 : i32
        %dma_start3A_273 = tpu.memref_slice %arg6[%mul3A_271, %dma_start3A_272] : memref<80x128xf32, #tpu.memory_space<hbm>> -> memref<40x128xf32, #tpu.memory_space<hbm>>
        tpu.enqueue_dma source(%arg15 : memref<40x128xf32, #tpu.memory_space<vmem_shared>>) target(%dma_start3A_273 : memref<40x128xf32, #tpu.memory_space<hbm>>) target_semaphore(%run_scoped3A : memref<!tpu.dma_semaphore, #tpu.memory_space<semaphore_mem>>)
        %dma_wait3A_274 = arith.constant 0 : i32
        %dma_wait3A_275 = tpu.memref_slice %arg6[%mul3A_271, %dma_wait3A_274] : memref<80x128xf32, #tpu.memory_space<hbm>> -> memref<40x128xf32, #tpu.memory_space<hbm>>
        tpu.wait_dma2 semaphore(%run_scoped3A : memref<!tpu.dma_semaphore, #tpu.memory_space<semaphore_mem>>) src(%arg15 : memref<40x128xf32, #tpu.memory_space<vmem_shared>>) dst(%dma_wait3A_275 : memref<40x128xf32, #tpu.memory_space<hbm>>)
        tpu.yield
      }) : () -> ()
    } else {
    }
    return
  }
}

module attributes {stable_mosaic.version = 14 : i64} {
  func.func @_xr_body(%arg0: i32, %arg1: memref<1024x256xf32, #tpu.memory_space<vmem>>, %arg2: memref<256x256xf32, #tpu.memory_space<vmem>>, %arg3: memref<1024x256xf32, #tpu.memory_space<vmem>>) attributes {dimension_semantics = [#tpu.dimension_semantics<arbitrary>], iteration_bounds = array<i64: 10>, scalar_prefetch = 0 : i64, scratch_operands = 0 : i64, tpu.core_type = #tpu.core_type<tc>, window_params = [{transform_indices = @transform_0, window_bounds = array<i64: 1024, 256>}, {pipeline_mode = #tpu.pipeline_mode<synchronous>, transform_indices = @transform_1, window_bounds = array<i64: 256, 256>}, {transform_indices = @transform_2, window_bounds = array<i64: 1024, 256>}]} {
    %get3A = arith.constant 0 : index
    %get3A_0 = arith.constant 0 : index
    %get3A_1 = vector.load %arg1[%get3A, %get3A_0] : memref<1024x256xf32, #tpu.memory_space<vmem>>, vector<1024x256xf32>
    %get3A_2 = arith.constant 0 : index
    %get3A_3 = arith.constant 0 : index
    %get3A_4 = vector.load %arg2[%get3A_2, %get3A_3] : memref<256x256xf32, #tpu.memory_space<vmem>>, vector<256x256xf32>
    %dot_general3A = arith.constant dense<0.000000e+00> : vector<1024x256xf32>
    %dot_general3A_5 = tpu.matmul %get3A_1, %get3A_4, %dot_general3A {dimension_numbers = #tpu.dot_dimension_numbers<[1], [0], [0], [1], [0, 0, 1, 1], [], []>, transpose_lhs_hint = false} : vector<1024x256xf32>, vector<256x256xf32>, vector<1024x256xf32> -> vector<1024x256xf32>
    %swap3A = arith.constant 0 : index
    %swap3A_6 = arith.constant 0 : index
    %swap3A_7 = vector.load %arg3[%swap3A, %swap3A_6] : memref<1024x256xf32, #tpu.memory_space<vmem>>, vector<1024x256xf32>
    tpu.vector_store %arg3[%swap3A, %swap3A_6], %dot_general3A_5 {strides = array<i32>} : memref<1024x256xf32, #tpu.memory_space<vmem>>, vector<1024x256xf32>,
    return
  }
  func.func @transform_0(%arg0: i32) -> (i32, i32) {
    %c0_i32 = arith.constant 0 : i32
    %c0_i32_0 = arith.constant 0 : i32
    return %arg0, %c0_i32 : i32, i32
  }
  func.func @transform_1(%arg0: i32) -> (i32, i32) {
    %c0_i32 = arith.constant 0 : i32
    %c0_i32_0 = arith.constant 0 : i32
    %c0_i32_1 = arith.constant 0 : i32
    return %c0_i32, %c0_i32_0 : i32, i32
  }
  func.func @transform_2(%arg0: i32) -> (i32, i32) {
    %c0_i32 = arith.constant 0 : i32
    %c0_i32_0 = arith.constant 0 : i32
    return %arg0, %c0_i32 : i32, i32
  }
}

module attributes {stable_mosaic.version = 14 : i64} {
  func.func @_dense_body(%arg0: i32, %arg1: memref<2048x128xf32, #tpu.memory_space<vmem>>, %arg2: memref<1024x1xf32, #tpu.memory_space<vmem>>, %arg3: memref<1024x256xf32, #tpu.memory_space<vmem>>, %arg4: memref<1x256xf32, #tpu.memory_space<vmem>>, %arg5: memref<256x256xf32, #tpu.memory_space<vmem>>, %arg6: memref<256x40xf32, #tpu.memory_space<vmem>>, %arg7: memref<1024x40xf32, #tpu.memory_space<vmem>>, %arg8: memref<1024x256xf32, #tpu.memory_space<vmem>>) attributes {dimension_semantics = [#tpu.dimension_semantics<arbitrary>], iteration_bounds = array<i64: 10>, scalar_prefetch = 0 : i64, scratch_operands = 0 : i64, tpu.core_type = #tpu.core_type<tc>, window_params = [{transform_indices = @transform_0, window_bounds = array<i64: 2048, 128>}, {transform_indices = @transform_1, window_bounds = array<i64: 1024, 1>}, {transform_indices = @transform_2, window_bounds = array<i64: 1024, 256>}, {pipeline_mode = #tpu.pipeline_mode<synchronous>, transform_indices = @transform_3, window_bounds = array<i64: 1, 256>}, {pipeline_mode = #tpu.pipeline_mode<synchronous>, transform_indices = @transform_4, window_bounds = array<i64: 256, 256>}, {pipeline_mode = #tpu.pipeline_mode<synchronous>, transform_indices = @transform_5, window_bounds = array<i64: 256, 40>}, {transform_indices = @transform_6, window_bounds = array<i64: 1024, 40>}, {transform_indices = @transform_7, window_bounds = array<i64: 1024, 256>}]} {
    %get3A = arith.constant 0 : index
    %get3A_0 = arith.constant 0 : index
    %get3A_1 = vector.load %arg1[%get3A, %get3A_0] : memref<2048x128xf32, #tpu.memory_space<vmem>>, vector<2048x128xf32>
    %reshape3A = vector.shape_cast %get3A_1 : vector<2048x128xf32> to vector<1024x256xf32>
    %get3A_2 = arith.constant 0 : index
    %get3A_3 = arith.constant 0 : index
    %get3A_4 = vector.load %arg2[%get3A_2, %get3A_3] : memref<1024x1xf32, #tpu.memory_space<vmem>>, vector<1024x1xf32>
    %max3A = arith.constant 1.000000e+00 : f32
    %max3A_5 = vector.broadcast %max3A : f32 to vector<1024x1xf32>
    %max3A_6 = arith.maximumf %get3A_4, %max3A_5 : vector<1024x1xf32>
    %div3A = vector.broadcast %max3A_6 : vector<1024x1xf32> to vector<1024x256xf32>
    %div3A_7 = arith.divf %reshape3A, %div3A : vector<1024x256xf32>
    %get3A_8 = arith.constant 0 : index
    %get3A_9 = arith.constant 0 : index
    %get3A_10 = vector.load %arg5[%get3A_8, %get3A_9] : memref<256x256xf32, #tpu.memory_space<vmem>>, vector<256x256xf32>
    %dot_general3A = arith.constant dense<0.000000e+00> : vector<1024x256xf32>
    %dot_general3A_11 = tpu.matmul %div3A_7, %get3A_10, %dot_general3A {dimension_numbers = #tpu.dot_dimension_numbers<[1], [0], [0], [1], [0, 0, 1, 1], [], []>, transpose_lhs_hint = false} : vector<1024x256xf32>, vector<256x256xf32>, vector<1024x256xf32> -> vector<1024x256xf32>
    %get3A_12 = arith.constant 0 : index
    %get3A_13 = arith.constant 0 : index
    %get3A_14 = vector.load %arg4[%get3A_12, %get3A_13] : memref<1x256xf32, #tpu.memory_space<vmem>>, vector<1x256xf32>
    %add3A = vector.broadcast %get3A_14 : vector<1x256xf32> to vector<1024x256xf32>
    %add3A_15 = arith.addf %dot_general3A_11, %add3A : vector<1024x256xf32>
    %get3A_16 = arith.constant 0 : index
    %get3A_17 = arith.constant 0 : index
    %get3A_18 = vector.load %arg3[%get3A_16, %get3A_17] : memref<1024x256xf32, #tpu.memory_space<vmem>>, vector<1024x256xf32>
    %add3A_19 = arith.addf %add3A_15, %get3A_18 : vector<1024x256xf32>
    %swap3A = arith.constant 0 : index
    %swap3A_20 = arith.constant 0 : index
    %swap3A_21 = vector.load %arg8[%swap3A, %swap3A_20] : memref<1024x256xf32, #tpu.memory_space<vmem>>, vector<1024x256xf32>
    tpu.vector_store %arg8[%swap3A, %swap3A_20], %add3A_19 {strides = array<i32>} : memref<1024x256xf32, #tpu.memory_space<vmem>>, vector<1024x256xf32>,
    %mul3A = arith.mulf %add3A_19, %add3A_19 : vector<1024x256xf32>
    %reduce_sum3A = arith.constant dense<0.000000e+00> : vector<1024xf32>
    %reduce_sum3A_22 = vector.multi_reduction <add>, %mul3A, %reduce_sum3A [1] : vector<1024x256xf32> to vector<1024xf32>
    %broadcast_in_dim3A = vector.shape_cast %reduce_sum3A_22 : vector<1024xf32> to vector<1024x1xf32>
    %sqrt3A = math.sqrt %broadcast_in_dim3A : vector<1024x1xf32>
    %max3A_23 = arith.constant 9.99999996E-13 : f32
    %max3A_24 = vector.broadcast %max3A_23 : f32 to vector<1024x1xf32>
    %max3A_25 = arith.maximumf %sqrt3A, %max3A_24 : vector<1024x1xf32>
    %div3A_26 = vector.broadcast %max3A_25 : vector<1024x1xf32> to vector<1024x256xf32>
    %div3A_27 = arith.divf %add3A_19, %div3A_26 : vector<1024x256xf32>
    %get3A_28 = arith.constant 0 : index
    %get3A_29 = arith.constant 0 : index
    %get3A_30 = vector.load %arg6[%get3A_28, %get3A_29] : memref<256x40xf32, #tpu.memory_space<vmem>>, vector<256x40xf32>
    %mul3A_31 = arith.mulf %get3A_30, %get3A_30 : vector<256x40xf32>
    %reduce_sum3A_32 = arith.constant dense<0.000000e+00> : vector<40xf32>
    %reduce_sum3A_33 = vector.multi_reduction <add>, %mul3A_31, %reduce_sum3A_32 [0] : vector<256x40xf32> to vector<40xf32>
    %broadcast_in_dim3A_34 = vector.shape_cast %reduce_sum3A_33 : vector<40xf32> to vector<1x40xf32>
    %sqrt3A_35 = math.sqrt %broadcast_in_dim3A_34 : vector<1x40xf32>
    %max3A_36 = arith.constant 9.99999996E-13 : f32
    %max3A_37 = vector.broadcast %max3A_36 : f32 to vector<1x40xf32>
    %max3A_38 = arith.maximumf %sqrt3A_35, %max3A_37 : vector<1x40xf32>
    %div3A_39 = vector.broadcast %max3A_38 : vector<1x40xf32> to vector<256x40xf32>
    %div3A_40 = arith.divf %get3A_30, %div3A_39 : vector<256x40xf32>
    %dot_general3A_41 = arith.constant dense<0.000000e+00> : vector<1024x40xf32>
    %dot_general3A_42 = tpu.matmul %div3A_27, %div3A_40, %dot_general3A_41 {dimension_numbers = #tpu.dot_dimension_numbers<[1], [0], [0], [1], [0, 0, 1, 1], [], []>, transpose_lhs_hint = false} : vector<1024x256xf32>, vector<256x40xf32>, vector<1024x40xf32> -> vector<1024x40xf32>
    %mul3A_43 = arith.constant 1.000000e+01 : f32
    %mul3A_44 = vector.broadcast %mul3A_43 : f32 to vector<1024x40xf32>
    %mul3A_45 = arith.mulf %mul3A_44, %dot_general3A_42 : vector<1024x40xf32>
    %swap3A_46 = arith.constant 0 : index
    %swap3A_47 = arith.constant 0 : index
    %swap3A_48 = vector.load %arg7[%swap3A_46, %swap3A_47] : memref<1024x40xf32, #tpu.memory_space<vmem>>, vector<1024x40xf32>
    tpu.vector_store %arg7[%swap3A_46, %swap3A_47], %mul3A_45 {strides = array<i32>} : memref<1024x40xf32, #tpu.memory_space<vmem>>, vector<1024x40xf32>,
    return
  }
  func.func @transform_0(%arg0: i32) -> (i32, i32) {
    %c0_i32 = arith.constant 0 : i32
    %c0_i32_0 = arith.constant 0 : i32
    return %arg0, %c0_i32 : i32, i32
  }
  func.func @transform_1(%arg0: i32) -> (i32, i32) {
    %c0_i32 = arith.constant 0 : i32
    %c0_i32_0 = arith.constant 0 : i32
    return %arg0, %c0_i32 : i32, i32
  }
  func.func @transform_2(%arg0: i32) -> (i32, i32) {
    %c0_i32 = arith.constant 0 : i32
    %c0_i32_0 = arith.constant 0 : i32
    return %arg0, %c0_i32 : i32, i32
  }
  func.func @transform_3(%arg0: i32) -> (i32, i32) {
    %c0_i32 = arith.constant 0 : i32
    %c0_i32_0 = arith.constant 0 : i32
    %c0_i32_1 = arith.constant 0 : i32
    return %c0_i32, %c0_i32_0 : i32, i32
  }
  func.func @transform_4(%arg0: i32) -> (i32, i32) {
    %c0_i32 = arith.constant 0 : i32
    %c0_i32_0 = arith.constant 0 : i32
    %c0_i32_1 = arith.constant 0 : i32
    return %c0_i32, %c0_i32_0 : i32, i32
  }
  func.func @transform_5(%arg0: i32) -> (i32, i32) {
    %c0_i32 = arith.constant 0 : i32
    %c0_i32_0 = arith.constant 0 : i32
    %c0_i32_1 = arith.constant 0 : i32
    return %c0_i32, %c0_i32_0 : i32, i32
  }
  func.func @transform_6(%arg0: i32) -> (i32, i32) {
    %c0_i32 = arith.constant 0 : i32
    %c0_i32_0 = arith.constant 0 : i32
    return %arg0, %c0_i32 : i32, i32
  }
  func.func @transform_7(%arg0: i32) -> (i32, i32) {
    %c0_i32 = arith.constant 0 : i32
    %c0_i32_0 = arith.constant 0 : i32
    return %arg0, %c0_i32 : i32, i32
  }
}

</mosaic_0001>

<sc_bundles>
// kernel: kernel.5.cloned.1.call-start
scs
__scs_entry_jumppad:
0x0: {  	(pc) =	sbr.rel $0x88, $3  }
0x1: {  	(tag) =	ssettag $0x0;
	lr =	simm.s32 $0x1  }
0x2: {  	[smem:$0x3F9B] =	sst lr;
	_ =	strace $0xD0000000  }
0x3: {  	_ = 	snop  }
0x4: {  	_ = 	snop  }
0x5: {  	_ = 	snop  }
0x6: {  	_ = 	snop  }
0x7: {  	_ = 	snop  }
__scs_overlays_trampoline_lowered:
0x8: {  	[smem:$0x3FAA] =	sst s0  }
0x9: {  	[smem:$0x3FAB] =	sst s1  }
0xa: {  	[smem:$0x3FAC] =	sst s2  }
0xb: {  	[smem:$0x3FAD] =	sst s3  }
0xc: {  	[smem:$0x3FAE] =	sst s4  }
0xd: {  	[smem:$0x3FAF] =	sst s5  }
0xe: {  	[smem:$0x3FB0] =	sst s6  }
0xf: {  	[smem:$0x3FB1] =	sst s7  }
0x10: {  	[smem:$0x3FB2] =	sst s8  }
0x11: {  	[smem:$0x3FB3] =	sst s9;
	s0 =	simm.s32 @!p0 $0x0  }
0x12: {  	s1 =	sld [smem:$0x3F99];
	s0 =	simm.s32 @p0 $0x1  }
0x13: {  	[smem:$0x3FB4] =	sst s0;
	s0 =	simm.s32 @!p1 $0x0  }
0x14: {  	s2 =	sld [smem:$0x3F98];
	s0 =	simm.s32 @p1 $0x1  }
0x15: {  	[smem:$0x3FB5] =	sst s0;
	s0 =	simm.s32 @!p2 $0x0  }
0x16: {  	s3 =	sld [smem:$0x3FDB];
	s0 =	simm.s32 @p2 $0x1  }
0x17: {  	s4 =	simm.s32 $0x1BF5;
	[smem:$0x3FB7] =	sst s0  }
0x18: {  	s0 =	sld [smem:$0x3F9A];
	_ =	swait.ge [sflag:s4], $0x0  }
0x19: {  	s7 =	sld [smem:$0x3F9B]  }
0x1a: {  	s8 =	sadd.s32 $0xFFFFE003, lr  }
0x1b: {  	s9 =	sadd.s32 $0xFFFFFEF7, lr;
	s5 =	simm.s32 $0xFFFFFFFF;
	p2 =	slt.u32 s8, $0xFFFFF086  }
0x1c: {  	p1 =	slt.u32 s9, $0xF7A;
	s5 =	simm.s32 @!p2 $0x0  }
0x1d: {  	s5 =	simm.s32 @p1 $0x1;
	p0 =	seq.s32 s7, s2  }
0x1e: {  	s7 =	smul.u32 @!p0 $0xF7A, s2;
	p2 =	seq.s32 @!p0 s5, $0x0  }
0x1f: {  	s9 =	smul.u32 $0xF7A, s1;
	s8 =	simm.s32 @!p0 $0x1BF5;
	p2 =	por !p2, p0  }
0x20: {  	[sflag:s8] =	ssyncset.s32 @!p0 $0xFFFFF086;
	s6 =	sadd.s32 @!p0 s3, s7;
	s7 =	simm.s32 @!p0 $0x108  }
0x21: {  	s3 =	sadd.s32 s3, s9;
	s6 =	sadd.s32 @!p0 $0x88, s6;
	s7 =	simm.s32 @p2 $0x1082  }
0x22: {  	[simem:s7], [sflag:s8] =	dma.local @!p0 [hbm:s6], $0xF7A  }
0x23: {  	s9 =	sor.u32 $0xD0000000, s2;
	s6 =	simm.s32 $0x108;
	_ =	swait.ge @!p0 [sflag:s8], $0x0  }
0x24: {  	s3 =	sadd.s32 $0x88, s3;
	s6 =	simm.s32 @!p1 $0x1082;
	[sflag:s4] =	ssyncset.s32 $0xFFFFF086  }
0x25: {  	[simem:s6], [sflag:s4] =	dma.local [hbm:s3], $0xF7A  }
0x26: {  	[smem:$0x3F9B] =	sst s1;
	(tag) =	ssettag s2;
	_ =	strace s9  }
0x27: {  	s1 =	sld [smem:$0x3FAB]  }
0x28: {  	s2 =	sld [smem:$0x3FAC]  }
0x29: {  	s4 =	sld [smem:$0x3FAE]  }
0x2a: {  	p0 =	seq.s32 s5, $0x0;
	s5 =	sld [smem:$0x3FAF]  }
0x2b: {  	s6 =	sld [smem:$0x3FB0]  }
0x2c: {  	s7 =	sld [smem:$0x3FB1]  }
0x2d: {  	s3 =	simm.s32 $0x108;
	s8 =	sld [smem:$0x3FB2]  }
0x2e: {  	s3 =	simm.s32 @!p0 $0x1082;
	s9 =	sld [smem:$0x3FB3]  }
0x2f: {  	lr =	sadd.s32 s0, s3;
	s0 =	sld [smem:$0x3FAA]  }
0x30: {  	s3 =	sld [smem:$0x3FAD]  }
0x31: {  	[smem:$0x3FB6] =	sst s10  }
0x32: {  	s10 =	sld [smem:$0x3FB4];
	_ =	sdelay $0x3  }
0x33: {  	p0 =	seq.s32 s10, $0x1;
	s10 =	sld [smem:$0x3FB6];
	_ =	sdelay $0x3  }
0x34: {  	[smem:$0x3FB6] =	sst s10  }
0x35: {  	s10 =	sld [smem:$0x3FB5];
	_ =	sdelay $0x3  }
0x36: {  	p1 =	seq.s32 s10, $0x1;
	s10 =	sld [smem:$0x3FB6];
	_ =	sdelay $0x3  }
0x37: {  	[smem:$0x3FB6] =	sst s10  }
0x38: {  	s10 =	sld [smem:$0x3FB7]  }
0x39: {  	_ = 	snop;
	(pc) =	sbr.ind lr, $3  }
0x3a: {  	_ = 	snop  }
0x3b: {  	_ = 	snop  }
0x3c: {  	p2 =	seq.s32 s10, $0x1;
	s10 =	sld [smem:$0x3FB6]  }
0x3d: {  	_ =	shalt  }
0x3e: {  	_ =	shalt  }
0x3f: {  	_ =	shalt  }
0x40: {  	_ =	shalt  }
0x41: {  	_ =	shalt  }
0x42: {  	_ =	shalt  }
0x43: {  	_ =	shalt  }
0x44: {  	_ =	shalt  }
0x45: {  	_ =	shalt  }
0x46: {  	_ =	shalt  }
0x47: {  	_ =	shalt  }
0x48: {  	_ =	shalt  }
0x49: {  	_ =	shalt  }
0x4a: {  	_ =	shalt  }
0x4b: {  	_ =	shalt  }
0x4c: {  	_ =	shalt  }
0x4d: {  	_ =	shalt  }
0x4e: {  	_ =	shalt  }
0x4f: {  	_ =	shalt  }
0x50: {  	_ =	shalt  }
0x51: {  	_ =	shalt  }
0x52: {  	_ =	shalt  }
0x53: {  	_ =	shalt  }
0x54: {  	_ =	shalt  }
0x55: {  	_ =	shalt  }
0x56: {  	_ =	shalt  }
0x57: {  	_ =	shalt  }
0x58: {  	_ =	shalt  }
0x59: {  	_ =	shalt  }
0x5a: {  	_ =	shalt  }
0x5b: {  	_ =	shalt  }
0x5c: {  	_ =	shalt  }
0x5d: {  	_ =	shalt  }
0x5e: {  	_ =	shalt  }
0x5f: {  	_ =	shalt  }
0x60: {  	_ =	shalt  }
0x61: {  	_ =	shalt  }
0x62: {  	_ =	shalt  }
0x63: {  	_ =	shalt  }
0x64: {  	_ =	shalt  }
0x65: {  	_ =	shalt  }
0x66: {  	_ =	shalt  }
0x67: {  	_ =	shalt  }
0x68: {  	_ =	shalt  }
0x69: {  	_ =	shalt  }
0x6a: {  	_ =	shalt  }
0x6b: {  	_ =	shalt  }
0x6c: {  	_ =	shalt  }
0x6d: {  	_ =	shalt  }
0x6e: {  	_ =	shalt  }
0x6f: {  	_ =	shalt  }
0x70: {  	_ =	shalt  }
0x71: {  	_ =	shalt  }
0x72: {  	_ =	shalt  }
0x73: {  	_ =	shalt  }
0x74: {  	_ =	shalt  }
0x75: {  	_ =	shalt  }
0x76: {  	_ =	shalt  }
0x77: {  	_ =	shalt  }
0x78: {  	_ =	shalt  }
0x79: {  	_ =	shalt  }
0x7a: {  	_ =	shalt  }
0x7b: {  	_ =	shalt  }
0x7c: {  	_ =	shalt  }
0x7d: {  	_ =	shalt  }
0x7e: {  	_ =	shalt  }
0x7f: {  	_ =	shalt  }
0x80: {  	_ =	shalt  }
0x81: {  	_ =	shalt  }
0x82: {  	_ =	shalt  }
0x83: {  	_ =	shalt  }
0x84: {  	_ =	shalt  }
0x85: {  	_ =	shalt  }
0x86: {  	_ =	shalt  }
0x87: {  	_ =	shalt  }
.Lfunc_end0:
.L_simem_size_0:
called_computation_lowered:
.L_overlay_start_0:
0x88: {  	s2 =	sld [smem:$0x3FD9]  }
0x89: {  	s3 =	sld [smem:$0x3FFE];
	_ =	sdelay $0x1  }
0x8a: {  	s1 =	srdreg.scid  }
0x8b: {  	s0 =	sand.u32 $0x1, s1  }
0x8c: {  	s14 =	sshll.u32 s0, $0xA;
	s2 =	sadd.s32 s3, s2  }
0x8d: {  	s2 =	sadd.s32 s2, s14  }
0x8e: {  	[smem:$0x3FC2] =	sst s2  }
0x8f: {  	_ = 	snop  }
0x90: {  	s2 =	sld [smem:$0x3FD0];
	_ =	sdelay $0x2  }
0x91: {  	s15 =	simm.s32 $0xA;
	s4 =	simm.s32 $0x10  }
0x92: {  	[smem:s4], [sflag:s15] =	dma.local [hbm:s2], $0x1  }
0x93: {  	_ =	swait.eq [sflag:s15], $0x1  }
0x94: {  	s16 =	sld [smem:$0x10];
	[sflag:s15] =	ssyncset.done $0x0  }
0x95: {  	s17 =	sld [smem:$0x11];
	[sflag:s15] =	ssyncadd.s32 $0xFFFFFFFF  }
0x96: {  	s18 =	sld [smem:$0x12];
	(tm) =	ssettm $0x1  }
0x97: {  	s5 =	sld [smem:$0x3FFB];
	_ =	sdelay $0x3  }
0x98: {  	_ =	strace s5  }
0x99: {  	s5 =	sld [smem:$0x3FFC];
	_ =	sdelay $0x3  }
0x9a: {  	_ =	strace s5  }
0x9b: {  	s5 =	sld [smem:$0x3FFD];
	_ =	sdelay $0x3  }
0x9c: {  	_ =	strace s5  }
0x9d: {  	_ =	strace $0x8FFFFFFF  }
0x9e: {  	s19 =	sld [smem:$0x3FDB];
	_ =	sdelay $0x1  }
0x9f: {  	s6 =	simm.s32 $_scs_section_size  }
0xa0: {  	s7 =	simm.s32 $_size__tile_overlayer_lowered;
	s8 =	simm.s32 $_tile_overlayer_lowered  }
0xa1: {  	s22 =	simm.s32 $0x1BFF;
	s21 =	sshll.u32 s8, $0x1;
	s5 =	sadd.s32 s6, s19  }
0xa2: {  	s9 =	simm.s32 $0x0;
	s20 =	sshll.u32 s7, $0x1;
	s7 =	sadd.s32 s21, s5  }
0xa3: {  	[timem:s9], [sflag:s22] =	dma.local [hbm:s7], s20  }
0xa4: {  	_ =	swait.ge [sflag:s22], s20  }
0xa5: {  	s6 =	ssub.s32 $0x0, s20;
	[sflag:s22] =	ssyncset.done $0x0  }
0xa6: {  	[sflag:s22] =	ssyncadd.s32 s6;
	_ =	sdelay $0x1  }
0xa7: {  	s23 =	simm.s32 $0x1B8B  }
0xa8: {  	_ =	swait.ge [sflag:s23], $0x1  }
0xa9: {  	[sflag:s23] =	ssyncset.done $0x0  }
0xaa: {  	s25 =	simm.s32 $0x1B8E;
	s24 =	sld [smem:$0x3FFE];
	[sflag:s23] =	ssyncadd.s32 $0xFFFFFFFF  }
0xab: {  	s26 =	simm.s32 $execute0_lowered;
	[smem:$0x3FD2] =	sst s25  }
0xac: {  	s7 =	sshll.u32 s26, $0x1;
	_ =	strace $0x80000046;
	[dreg:$0x1] =	wrdreg $0xFFFFFFFF  }
0xad: {  	s28 =	simm.s32 $_size_execute0_lowered;
	s5 =	sadd.s32 s5, s7;
	[dreg:$0x0] =	wrdreg $0x0  }
0xae: {  	s7 =	sshll.u32 s28, $0x1;
	[dreg:$0x2] =	wrdreg s5  }
0xaf: {  	[dreg:$0x3] =	wrdreg s7  }
0xb0: {  	[dreg:$0x4] =	wrdreg $0xC0  }
0xb1: {  	_ =	task [dreg:s9], $0x5FFFF  }
0xb2: {  	[dreg:$0x1] =	wrdreg $0xFFFFFFFF  }
0xb3: {  	[dreg:$0x0] =	wrdreg $0x60  }
0xb4: {  	[dreg:$0x2] =	wrdreg s17  }
0xb5: {  	[dreg:$0x3] =	wrdreg s18  }
0xb6: {  	[dreg:$0x4] =	wrdreg s16  }
0xb7: {  	[dreg:$0x5] =	wrdreg s24  }
0xb8: {  	[dreg:$0x6] =	wrdreg $0xA6800  }
0xb9: {  	[dreg:$0x7] =	wrdreg $0x1EE800  }
0xba: {  	[dreg:$0x8] =	wrdreg $0x9  }
0xbb: {  	_ =	task.clear_ibuf [dreg:s9], $0x9FFFF;
	_ =	strace $0x90000046  }
0xbc: {  	s29 =	simm.s32 $0x9;
	_ =	strace $0x80000048  }
0xbd: {  	_ =	swait.ge [sflag:s29], $0x1  }
0xbe: {  	[sflag:s29] =	ssyncadd.s32 $0xFFFFFFFF  }
0xbf: {  	_ =	strace $0x90000048  }
0xc0: {  	_ =	sfence  }
0xc1: {  	s30 =	sld [smem:$0x0];
	_ =	sdelay $0x2  }
0xc2: {  	s31 =	sshll.u32 s1, $0xD;
	s1 =	sshrl.u32 s1, $0x2  }
0xc3: {  	s3 =	sand.u32 $0x4000, s31;
	s1 =	sadd.s32 s1, s30  }
0xc4: {  	s0 =	sor.u32 s3, s0;
	s1 =	sshll.u32 s1, $0x11  }
0xc5: {  	s0 =	sor.u32 s1, s0  }
0xc6: {  	s0 =	sadd.s32 $0x8F2B, s0  }
0xc7: {  	[sflag:s0] =	ssyncadd.remote.s32 $0x1  }
0xc8: {  	_ =	sfence.sel $0xFFFF  }
0xc9: {  	[dreg:$0x0] =	wrdreg $0xFFFFFFFF;
	(pc) =	sbr.abs _section_cstart, $3  }
0xca: {  	[dreg:$0x1] =	wrdreg $0xFFFFFFFF  }
0xcb: {  	_ =	task.clear_ibuf [dreg:s9], $0x2FFFF;
	_ =	strace $0x9FFFFFFF  }
0xcc: {  	(tm) =	ssettm $0x7FFFFFFF  }
0xcd: {  	_ =	shalt  }
tec
execute0_lowered:
.L_overlay_start_1:
0x0: {  	(tag) =	ssettag $0x1  }
0x1: {  	s0 =	rddreg [dreg:$0x0]  }
0x2: {  	s12 =	rddreg [dreg:$0x1]  }
0x3: {  	s13 =	rddreg [dreg:$0x2]  }
0x4: {  	s6 =	rddreg [dreg:$0x3]  }
0x5: {  	s2 =	srdreg.scid;
	s1 =	rddreg [dreg:$0x4]  }
0x6: {  	s3 =	stileid.u32;
	s4 =	rddreg [dreg:$0x5]  }
0x7: {  	s5 =	simm.s32 $0x0;
	s20 =	simm.s32 $0x9280;
	s9 =	smul.u32 $0x2800, s3  }
0x8: {  	s21 =	simm.s32 $0x1;
	s22 =	simm.s32 $0x5100;
	s26 =	smul.u32 $0x52000, s3  }
0x9: {  	s23 =	simm.s32 $0x5180;
	s24 =	simm.s32 $0x80;
	s18 =	smul.u32 $0x50000, s3  }
0xa: {  	s7 =	sand.u32 $0x1, s2;
	s2 =	rddreg [dreg:$0x6];
	s19 =	smul.u32 $0x4E2, s3  }
0xb: {  	s28 =	simm.s32 $0x5200;
	[smem:$0x7FF] =	sst s5;
	s8 =	smul.u32 $0x28000, s7  }
0xc: {  	p0 =	sne.s32 s3, $0x0;
	s10 =	smul.u32 $0x280, s7;
	_ =	strace $0x80000047  }
0xd: {  	s29 =	ssub.s32 $0x2, s7;
	s16 =	smul.u32 $0xFFFFEC00, s7;
	s30 =	sshrl.u32 s26, $0x2  }
0xe: {  	s31 =	sshrl.u32 s29, $0x1;
	s18 =	sshrl.u32 s18, $0x2;
	s12 =	sadd.s32 s12, s19  }
0xf: {  	s13 =	sadd.s32 s13, s19;
	s19 =	simm.s32 $0x2880;
	s26 =	simm.s32 $0x28  }
0x10: {  	v0 =	vlaneseq.u32;
	s8 =	sadd.s32 s9, s8;
	s15 =	sadd.s32 s10, s6;
	s17 =	ssub.s32 s29, s31  }
.Ltmp0:
0x11: {  	v2 =	vimm.f32 $0.0e+00;
	v4 =	vimm.f32 $1.000000000e+00;
	v3 =	vmul.u32 $0x2, v0;
	s25 =	sadd.s32 s18, s1;
	s18 =	simm.s32 $0x2;
	(pc) =	sbr.rel .LBB2_1-.Ltmp0, $4  }
0x12: {  	v5 =	vimm.s32 $0x0;
	v6 =	vimm.s32 $0x1400;
	v14 =	vor.u32 $0x10, v0;
	s14 =	sadd.s32 s8, s6;
	s6 =	sadd.s32 s30, s1;
	s15 =	sadd.s32 $0x1600, s15  }
0x13: {  	v15 =	vadd.s32 $0x18, v0;
	v7 =	vor.u32 $0x1, v3;
	v1 =	vmov s16;
	s16 =	smax.u32 s17, $0x1;
	s17 =	simm.s32 $0x5280;
	s25 =	sshrl.u32 s25, $0x3  }
0x14: {  	v8 =	vor.u32 $0x20, v3;
	v9 =	vor.u32 $0x21, v3;
	v10 =	vor.u32 $0x40, v3;
	s7 =	sadd.s32 $0x4000, s6;
	s8 =	sadd.s32 $0x8000, s6;
	s9 =	sadd.s32 $0xC000, s6  }
0x15: {  	v11 =	vor.u32 $0x41, v3;
	v12 =	vor.u32 $0x60, v3;
	v13 =	vor.u32 $0x61, v3;
	s10 =	sadd.s32 $0x10000, s6;
	s11 =	sadd.s32 $0x14000, s6;
	s14 =	sadd.s32 $0x1C00, s14  }
.LBB2_10:
0x16: {  	[sflag:s18] =	ssyncadd.s32 $0xFFFFC000  }
.LBB2_11:
0x17: {  	[tilespmem:$0x5200] =	vst v0  }
0x18: {  	[tilespmem:$0x5210] =	vst v14  }
0x19: {  	[tilespmem:$0x5218] =	vst v15  }
0x1a: {  	[spmem:s4] =	stream.indirect.scatter.add.f32 [tilespmem:s20], [sflag:$0x2], $0x80, s28, s26, $0xb8;
	[tilespmem:$0x1EFC0] =	vst v63  }
0x1b: {  	_ =	swait.ge [sflag:s18], $0x1400  }
0x1c: {  	[sflag:s18] =	ssyncset.done $0x0  }
0x1d: {  	s29 =	sshll.u32 s3, $0x6;
	[sflag:s18] =	ssyncadd.s32 $0xFFFFEC00  }
0x1e: {  	s29 =	sor.u32 $0x1C02, s29;
	[bflag:$0x0] =	sbarrier.arrive $0xFFFF  }
0x1f: {  	[hbm:s14], [sflag:s29] =	dma.local [spmem:s25], $0x2800  }
0x20: {  	_ =	swait.ge [sflag:s18], $0x2800  }
0x21: {  	s5 =	sadd.s32 $0x1, s5;
	[sflag:s18] =	ssyncset.done $0x0  }
0x22: {  	s30 =	sshrl.u32 @!p0 s4, $0x3;
	p1 =	sne.s32 s5, s16;
	[sflag:s18] =	ssyncadd.s32 $0xFFFFD800  }
0x23: {  	[hbm:s15], [sflag:s29] =	dma.local @!p0 [spmem:s30], $0x280  }
.Ltmp1:
0x24: {  	_ = 	snop;
	(pc) =	sbr.rel @!p1 .LBB2_12-.Ltmp1, $4  }
0x25: {  	s29 =	simm.s32 @!p0 $0x2  }
0x26: {  	_ =	swait.ge @!p0 [sflag:s29], $0x280  }
0x27: {  	[sflag:s29] =	ssyncset.done @!p0 $0x0  }
0x28: {  	[sflag:s29] =	ssyncadd.s32 @!p0 $0xFFFFFD80  }
.LBB2_1:
0x29: {  	s29 =	simm.s32 $0x0;
	s30 =	simm.s32 $0x200  }
.LBB2_2:
0x2a: {  	p1 =	sne.s32 s30, $0x4E00;
	[tilespmem:s29+$0x92F0] =	vst v2  }
0x2b: {  	[tilespmem:s29+$0x9280] =	vst v2  }
0x2c: {  	[tilespmem:s29+$0x9290] =	vst v2  }
.Ltmp2:
0x2d: {  	[tilespmem:s29+$0x92A0] =	vst v2;
	(pc) =	sbr.rel @p1 .LBB2_2-.Ltmp2, $4  }
0x2e: {  	[tilespmem:s29+$0x92B0] =	vst v2  }
0x2f: {  	[tilespmem:s29+$0x92C0] =	vst v2  }
0x30: {  	[tilespmem:s29+$0x92D0] =	vst v2  }
0x31: {  	[tilespmem:s29+$0x92E0] =	vst v2;
	s29 =	sshra.s32 s30, $0x2;
	s30 =	sadd.s32 $0x200, s30  }
0x32: {  	[tilespmem:s29+$0x92F0] =	vst v2  }
0x33: {  	[tilespmem:s29+$0x9280] =	vst v2  }
0x34: {  	[tilespmem:s29+$0x9290] =	vst v2  }
0x35: {  	[tilespmem:s29+$0x92A0] =	vst v2  }
0x36: {  	[tilespmem:s29+$0x92B0] =	vst v2  }
0x37: {  	[tilespmem:s29+$0x92C0] =	vst v2  }
0x38: {  	[tilespmem:s29+$0x92D0] =	vst v2  }
0x39: {  	[tilespmem:s29+$0x92E0] =	vst v2;
	s29 =	simm.s32 @!p0 $0x9280  }
0x3a: {  	[spmem:s4] =	stream.linear.scatter @!p0 [tilespmem:s29], [sflag:$0x2], $0x1400, $0x38;
	[tilespmem:$0x1EFC0] =	vst v63  }
0x3b: {  	s29 =	simm.s32 @!p0 $0x2  }
0x3c: {  	_ =	swait.ge @!p0 [sflag:s29], $0x1400  }
0x3d: {  	[sflag:s29] =	ssyncset.done @!p0 $0x0  }
0x3e: {  	s30 =	simm.s32 $0x200;
	[sflag:s29] =	ssyncadd.s32 @!p0 $0xFFFFEC00;
	s29 =	simm.s32 $0x0  }
.LBB2_4:
0x3f: {  	p1 =	sne.s32 s30, $0xFE00;
	[tilespmem:s29+$0x52F0] =	vst v2  }
0x40: {  	[tilespmem:s29+$0x5280] =	vst v2  }
0x41: {  	[tilespmem:s29+$0x5290] =	vst v2  }
.Ltmp3:
0x42: {  	[tilespmem:s29+$0x52A0] =	vst v2;
	(pc) =	sbr.rel @p1 .LBB2_4-.Ltmp3, $4  }
0x43: {  	[tilespmem:s29+$0x52B0] =	vst v2  }
0x44: {  	[tilespmem:s29+$0x52C0] =	vst v2  }
0x45: {  	[tilespmem:s29+$0x52D0] =	vst v2  }
0x46: {  	[tilespmem:s29+$0x52E0] =	vst v2;
	s29 =	sshra.s32 s30, $0x2;
	s30 =	sadd.s32 $0x200, s30  }
0x47: {  	[tilespmem:s29+$0x52F0] =	vst v2  }
0x48: {  	[tilespmem:s29+$0x5280] =	vst v2  }
0x49: {  	[tilespmem:s29+$0x5290] =	vst v2  }
0x4a: {  	[tilespmem:s29+$0x52A0] =	vst v2  }
0x4b: {  	[tilespmem:s29+$0x52B0] =	vst v2  }
0x4c: {  	[tilespmem:s29+$0x52C0] =	vst v2  }
0x4d: {  	[tilespmem:s29+$0x52D0] =	vst v2  }
0x4e: {  	[tilespmem:s29+$0x52E0] =	vst v2  }
0x4f: {  	[spmem:s6] =	stream.linear.scatter [tilespmem:s17], [sflag:$0x1], $0x4000, $0x38;
	[tilespmem:$0x1EFC0] =	vst v63  }
0x50: {  	_ = 	snop  }
0x51: {  	[spmem:s7] =	stream.linear.scatter [tilespmem:s17], [sflag:$0x1], $0x4000, $0x38;
	[tilespmem:$0x1EFC0] =	vst v63  }
0x52: {  	_ = 	snop  }
0x53: {  	[spmem:s8] =	stream.linear.scatter [tilespmem:s17], [sflag:$0x1], $0x4000, $0x38;
	[tilespmem:$0x1EFC0] =	vst v63  }
0x54: {  	_ = 	snop  }
0x55: {  	[spmem:s9] =	stream.linear.scatter [tilespmem:s17], [sflag:$0x1], $0x4000, $0x38;
	[tilespmem:$0x1EFC0] =	vst v63  }
0x56: {  	_ = 	snop  }
0x57: {  	[spmem:s10] =	stream.linear.scatter [tilespmem:s17], [sflag:$0x1], $0x4000, $0x38;
	[tilespmem:$0x1EFC0] =	vst v63  }
0x58: {  	_ = 	snop  }
0x59: {  	[spmem:s11] =	stream.linear.scatter [tilespmem:s17], [sflag:$0x1], $0x800, $0x38;
	[tilespmem:$0x1EFC0] =	vst v63  }
0x5a: {  	s29 =	simm.s32 $0x0  }
0x5b: {  	[tilespmem:s29], [sflag:$0x2] =	stream.linear.gather [hbm4b:s12+s29], $0x2710, $0x38;
	[tilespmem:$0x1EFC0] =	vst v63  }
0x5c: {  	_ =	swait.ge [sflag:s18], $0x2710  }
0x5d: {  	[sflag:s18] =	ssyncset.done $0x0  }
0x5e: {  	[sflag:s18] =	ssyncadd.s32 $0xFFFFD8F0  }
0x5f: {  	[tilespmem:s19], [sflag:$0x2] =	stream.linear.gather [hbm4b:s13+s29], $0x2710, $0x38;
	[tilespmem:$0x1EFC0] =	vst v63  }
0x60: {  	_ =	swait.ge [sflag:s18], $0x2710  }
0x61: {  	[sflag:s18] =	ssyncset.done $0x0  }
0x62: {  	s30 =	simm.s32 $0x0;
	[sflag:s18] =	ssyncadd.s32 $0xFFFFD8F0  }
0x63: {  	v16 =	vld [tilespmem:s30+$0x2880];
	_ =	sdelay $0x4  }
0x64: {  	v16 =	vadd.s32 v1, v16  }
0x65: {  	vm0 =	vlt.u32 v16, $0x1400  }
0x66: {  	vm1 =	vgt.s32 v16, $0x0;
	v17 =	vsel vm0, $0x1, v5  }
0x67: {  	v18 =	vnsel vm1, $0x0, v16;
	(xrf0) =	vadd.scan.msk.s32 $0xffff, v17  }
0x68: {  	v17 =	vmin.u32 v18, $0x13FF;
	_ =	sdelay $0x1  }
0x69: {  	v18 =	vld [tilespmem:s30+$0x0];
	_ =	sdelay $0x2  }
0x6a: {  	[tilespmem:v17+s20+$0x0] =	vst.idx.add.f32.msk vm0, v4;
	v17, _, _ =	vpop (xrf0)  }
0x6b: {  	[tilespmem:s29+$0x2880] =	vst.msk vm0, v16;
	(v2sf) =	vpush v17, $0xF  }
0x6c: {  	s30 =	simm.s32 $0x10;
	[tilespmem:s29+$0x0] =	vst.msk vm0, v18  }
0x6d: {  	v16 =	vld [tilespmem:s30+$0x2880];
	_ =	sdelay $0x4  }
0x6e: {  	v16 =	vadd.s32 v1, v16  }
0x6f: {  	vm1 =	vgt.s32 v16, $0x0  }
0x70: {  	vm0 =	vlt.u32 v16, $0x1400;
	v17 =	vnsel vm1, $0x0, v16  }
0x71: {  	v19 =	vsel vm0, $0x1, v5;
	v18 =	vmin.u32 v17, $0x13FF  }
0x72: {  	(xrf0) =	vadd.scan.msk.s32 $0xffff, v19;
	_ =	sdelay $0x2  }
0x73: {  	v17 =	vld [tilespmem:s30+$0x0]  }
0x74: {  	s30 =	simm.s32 $0x80;
	[tilespmem:v18+s20+$0x0] =	vst.idx.add.f32.msk vm0, v4;
	s31 =	spop (v2sf)  }
.LBB2_6:
0x75: {  	p1 =	sne.s32 s30, $0x9C00  }
0x76: {  	v18, _, _ =	vpop (xrf0);
	s29 =	sadd.s32 s29, s31;
	s31 =	smov.u32 s30;
	s30 =	sadd.s32 $0x40, s30  }
0x77: {  	[tilespmem:s29+$0x2880] =	vst.msk vm0, v16;
	(v2sf) =	vpush v18, $0xF  }
0x78: {  	s31 =	sshra.s32 s31, $0x2;
	[tilespmem:s29+$0x0] =	vst.msk vm0, v17  }
0x79: {  	v16 =	vld [tilespmem:s31+$0x2880];
	_ =	sdelay $0x4  }
0x7a: {  	v16 =	vadd.s32 v1, v16  }
0x7b: {  	vm0 =	vlt.u32 v16, $0x1400;
	vm1 =	vgt.s32 v16, $0x0  }
0x7c: {  	v17 =	vnsel vm1, $0x0, v16;
	v18 =	vsel vm0, $0x1, v5  }
0x7d: {  	v19 =	vmin.u32 v17, $0x13FF;
	(xrf0) =	vadd.scan.msk.s32 $0xffff, v18  }
.Ltmp4:
0x7e: {  	(pc) =	sbr.rel @p1 .LBB2_6-.Ltmp4, $3  }
0x7f: {  	_ = 	snop  }
0x80: {  	v17 =	vld [tilespmem:s31+$0x0];
	_ =	sdelay $0x1  }
0x81: {  	[tilespmem:v19+s20+$0x0] =	vst.idx.add.f32.msk vm0, v4;
	s31 =	spop (v2sf)  }
0x82: {  	v18, _, _ =	vpop (xrf0)  }
0x83: {  	(v2sf) =	vpush v18, $0xF;
	_ =	sdelay $0xd  }
0x84: {  	s29 =	sadd.s32 s29, s31  }
0x85: {  	[tilespmem:s29+$0x2880] =	vst.msk vm0, v16;
	s30 =	spop (v2sf)  }
0x86: {  	[tilespmem:s29+$0x0] =	vst.msk vm0, v17;
	s29 =	sadd.s32 s29, s30  }
0x87: {  	[tilespmem:s29+$0x0] =	vst v5  }
0x88: {  	[tilespmem:s29+$0x2880] =	vst v6  }
0x89: {  	[tilespmem:s29+$0x10] =	vst v5  }
0x8a: {  	[tilespmem:s29+$0x2890] =	vst v6  }
0x8b: {  	[tilespmem:s29+$0x20] =	vst v5  }
0x8c: {  	[tilespmem:s29+$0x28A0] =	vst v6  }
0x8d: {  	[tilespmem:s29+$0x30] =	vst v5  }
0x8e: {  	[tilespmem:s29+$0x28B0] =	vst v6  }
0x8f: {  	[tilespmem:s29+$0x40] =	vst v5  }
0x90: {  	[tilespmem:s29+$0x28C0] =	vst v6  }
0x91: {  	[tilespmem:s29+$0x50] =	vst v5  }
0x92: {  	[tilespmem:s29+$0x28D0] =	vst v6  }
0x93: {  	[tilespmem:s29+$0x60] =	vst v5  }
0x94: {  	[tilespmem:s29+$0x28E0] =	vst v6  }
0x95: {  	[tilespmem:s29+$0x70] =	vst v5  }
0x96: {  	[tilespmem:s29+$0x28F0] =	vst v6  }
0x97: {  	[tilespmem:s29+$0x80] =	vst v5  }
0x98: {  	[tilespmem:s29+$0x2900] =	vst v6  }
0x99: {  	[tilespmem:s29+$0x90] =	vst v5  }
0x9a: {  	[tilespmem:s29+$0x2910] =	vst v6  }
0x9b: {  	[tilespmem:s29+$0xA0] =	vst v5  }
0x9c: {  	[tilespmem:s29+$0x2920] =	vst v6  }
0x9d: {  	[tilespmem:s29+$0xB0] =	vst v5  }
0x9e: {  	[tilespmem:s29+$0x2930] =	vst v6  }
0x9f: {  	[tilespmem:s29+$0xC0] =	vst v5  }
0xa0: {  	[tilespmem:s29+$0x2940] =	vst v6  }
0xa1: {  	[tilespmem:s29+$0xD0] =	vst v5  }
0xa2: {  	[tilespmem:s29+$0x2950] =	vst v6  }
0xa3: {  	[tilespmem:s29+$0xE0] =	vst v5  }
0xa4: {  	[tilespmem:s29+$0x2960] =	vst v6  }
0xa5: {  	[tilespmem:s29+$0xF0] =	vst v5  }
0xa6: {  	[tilespmem:s29+$0x2970] =	vst v6  }
0xa7: {  	_ =	swait.ge [sflag:s21], $0x4000  }
0xa8: {  	[sflag:s21] =	ssyncset.done $0x0  }
0xa9: {  	[sflag:s21] =	ssyncadd.s32 $0xFFFFC000  }
0xaa: {  	_ =	swait.ge [sflag:s21], $0x4000  }
0xab: {  	[sflag:s21] =	ssyncset.done $0x0  }
0xac: {  	[sflag:s21] =	ssyncadd.s32 $0xFFFFC000  }
0xad: {  	_ =	swait.ge [sflag:s21], $0x4000  }
0xae: {  	[sflag:s21] =	ssyncset.done $0x0  }
0xaf: {  	[sflag:s21] =	ssyncadd.s32 $0xFFFFC000  }
0xb0: {  	_ =	swait.ge [sflag:s21], $0x4000  }
0xb1: {  	[sflag:s21] =	ssyncset.done $0x0  }
0xb2: {  	[sflag:s21] =	ssyncadd.s32 $0xFFFFC000  }
0xb3: {  	s29 =	sadd.s32 $0x3F, s29;
	_ =	swait.ge [sflag:s21], $0x4000  }
0xb4: {  	s31 =	sshra.s32 s29, $0x6;
	[sflag:s21] =	ssyncset.done $0x0  }
0xb5: {  	p1 =	slt.s32 s31, $0x1;
	[sflag:s21] =	ssyncadd.s32 $0xFFFFC000  }
.Ltmp5:
0xb6: {  	_ =	swait.ge [sflag:s21], $0x800;
	(pc) =	sbr.rel @p1 .LBB2_11-.Ltmp5, $3  }
0xb7: {  	[sflag:s21] =	ssyncset.done $0x0  }
0xb8: {  	[sflag:s21] =	ssyncadd.s32 $0xFFFFF800  }
0xb9: {  	[bflag:$0x0] =	sbarrier.arrive $0xFFFF;
	_ =	sdelay $0x1  }
0xba: {  	s29 =	simm.s32 $0x20  }
0xbb: {  	v16 =	vld [tilespmem:s29+$0xFFFFFFE0]  }
0xbc: {  	s30 =	simm.s32 $0x28A0  }
0xbd: {  	v17 =	vld [tilespmem:s30+$0xFFFFFFE0];
	_ =	sdelay $0x2  }
0xbe: {  	v16 =	vshll.u32 v16, $0x1  }
0xbf: {  	[tilespmem:v3+s22+$0x0] =	vst.idx.msk $0xffff, v16;
	v16 =	vor.u32 $0x1, v16  }
0xc0: {  	[tilespmem:v7+s22+$0x0] =	vst.idx.msk $0xffff, v16;
	v16 =	vshll.u32 v17, $0x1  }
0xc1: {  	[tilespmem:v3+s23+$0x0] =	vst.idx.msk $0xffff, v16;
	v16 =	vor.u32 $0x1, v16  }
0xc2: {  	[tilespmem:v7+s23+$0x0] =	vst.idx.msk $0xffff, v16  }
0xc3: {  	v16 =	vld [tilespmem:s29+$0xFFFFFFF0];
	_ =	sdelay $0x1  }
0xc4: {  	v17 =	vld [tilespmem:s30+$0xFFFFFFF0];
	_ =	sdelay $0x2  }
0xc5: {  	v16 =	vshll.u32 v16, $0x1  }
0xc6: {  	[tilespmem:v8+s22+$0x0] =	vst.idx.msk $0xffff, v16;
	v16 =	vor.u32 $0x1, v16  }
0xc7: {  	[tilespmem:v9+s22+$0x0] =	vst.idx.msk $0xffff, v16;
	v16 =	vshll.u32 v17, $0x1  }
0xc8: {  	[tilespmem:v8+s23+$0x0] =	vst.idx.msk $0xffff, v16;
	v16 =	vor.u32 $0x1, v16  }
0xc9: {  	[tilespmem:v9+s23+$0x0] =	vst.idx.msk $0xffff, v16  }
0xca: {  	v16 =	vld [tilespmem:s29+$0x0];
	_ =	sdelay $0x1  }
0xcb: {  	v17 =	vld [tilespmem:s30+$0x0];
	_ =	sdelay $0x2  }
0xcc: {  	v16 =	vshll.u32 v16, $0x1  }
0xcd: {  	[tilespmem:v10+s22+$0x0] =	vst.idx.msk $0xffff, v16;
	v16 =	vor.u32 $0x1, v16  }
0xce: {  	[tilespmem:v11+s22+$0x0] =	vst.idx.msk $0xffff, v16;
	v16 =	vshll.u32 v17, $0x1  }
0xcf: {  	[tilespmem:v10+s23+$0x0] =	vst.idx.msk $0xffff, v16;
	v16 =	vor.u32 $0x1, v16  }
0xd0: {  	[tilespmem:v11+s23+$0x0] =	vst.idx.msk $0xffff, v16  }
0xd1: {  	v16 =	vld [tilespmem:s29+$0x10];
	_ =	sdelay $0x1  }
0xd2: {  	v17 =	vld [tilespmem:s30+$0x10];
	_ =	sdelay $0x2  }
0xd3: {  	v16 =	vshll.u32 v16, $0x1  }
0xd4: {  	[tilespmem:v12+s22+$0x0] =	vst.idx.msk $0xffff, v16;
	v16 =	vor.u32 $0x1, v16  }
0xd5: {  	[tilespmem:v13+s22+$0x0] =	vst.idx.msk $0xffff, v16;
	v16 =	vshll.u32 v17, $0x1  }
0xd6: {  	[tilespmem:v12+s23+$0x0] =	vst.idx.msk $0xffff, v16;
	v16 =	vor.u32 $0x1, v16  }
0xd7: {  	[tilespmem:v13+s23+$0x0] =	vst.idx.msk $0xffff, v16  }
0xd8: {  	[tilespmem:s17], [sflag:$0x1] =	stream.indirect.gather [hbm4b:s0+s24], $0x80, s22, s24, $0xb8;
	[tilespmem:$0x1EFC0] =	vst v63  }
0xd9: {  	p1 =	sne.s32 s31, $0x1;
	_ =	swait.ge [sflag:s21], $0x4000  }
.Ltmp6:
0xda: {  	[sflag:s21] =	ssyncset.done $0x0;
	(pc) =	sbr.rel @!p1 .LBB2_10-.Ltmp6, $4  }
0xdb: {  	[sflag:s21] =	ssyncadd.s32 $0xFFFFC000  }
0xdc: {  	[spmem:s1] =	stream.indirect.scatter.add.f32 [tilespmem:s17], [sflag:$0x2], $0x80, s23, s24, $0xb8;
	[tilespmem:$0x1EFC0] =	vst v63  }
0xdd: {  	_ =	swait.ge [sflag:s18], $0x4000  }
0xde: {  	s31 =	sadd.s32 $0xFFFFFFFF, s31;
	[sflag:s18] =	ssyncset.done $0x0  }
.LBB2_9:
0xdf: {  	[sflag:s18] =	ssyncadd.s32 $0xFFFFC000;
	s30 =	sadd.s32 $0x40, s30;
	s29 =	sadd.s32 $0x40, s29  }
0xe0: {  	p1 =	sne.s32 s31, $0x1;
	s31 =	sadd.s32 $0xFFFFFFFF, s31;
	v16 =	vld [tilespmem:s29+$0xFFFFFFE0];
	_ =	sdelay $0x1  }
0xe1: {  	v17 =	vld [tilespmem:s30+$0xFFFFFFE0];
	_ =	sdelay $0x2  }
0xe2: {  	v16 =	vshll.u32 v16, $0x1  }
0xe3: {  	[tilespmem:v3+s22+$0x0] =	vst.idx.msk $0xffff, v16;
	v16 =	vor.u32 $0x1, v16  }
0xe4: {  	[tilespmem:v7+s22+$0x0] =	vst.idx.msk $0xffff, v16;
	v16 =	vshll.u32 v17, $0x1  }
0xe5: {  	[tilespmem:v3+s23+$0x0] =	vst.idx.msk $0xffff, v16;
	v16 =	vor.u32 $0x1, v16  }
0xe6: {  	[tilespmem:v7+s23+$0x0] =	vst.idx.msk $0xffff, v16  }
0xe7: {  	v16 =	vld [tilespmem:s29+$0xFFFFFFF0];
	_ =	sdelay $0x1  }
0xe8: {  	v17 =	vld [tilespmem:s30+$0xFFFFFFF0];
	_ =	sdelay $0x2  }
0xe9: {  	v16 =	vshll.u32 v16, $0x1  }
0xea: {  	[tilespmem:v8+s22+$0x0] =	vst.idx.msk $0xffff, v16;
	v16 =	vor.u32 $0x1, v16  }
0xeb: {  	[tilespmem:v9+s22+$0x0] =	vst.idx.msk $0xffff, v16;
	v16 =	vshll.u32 v17, $0x1  }
0xec: {  	[tilespmem:v8+s23+$0x0] =	vst.idx.msk $0xffff, v16;
	v16 =	vor.u32 $0x1, v16  }
0xed: {  	[tilespmem:v9+s23+$0x0] =	vst.idx.msk $0xffff, v16  }
0xee: {  	v16 =	vld [tilespmem:s29+$0x0];
	_ =	sdelay $0x1  }
0xef: {  	v17 =	vld [tilespmem:s30+$0x0];
	_ =	sdelay $0x2  }
0xf0: {  	v16 =	vshll.u32 v16, $0x1  }
0xf1: {  	[tilespmem:v10+s22+$0x0] =	vst.idx.msk $0xffff, v16;
	v16 =	vor.u32 $0x1, v16  }
0xf2: {  	[tilespmem:v11+s22+$0x0] =	vst.idx.msk $0xffff, v16;
	v16 =	vshll.u32 v17, $0x1  }
0xf3: {  	[tilespmem:v10+s23+$0x0] =	vst.idx.msk $0xffff, v16;
	v16 =	vor.u32 $0x1, v16  }
0xf4: {  	[tilespmem:v11+s23+$0x0] =	vst.idx.msk $0xffff, v16  }
0xf5: {  	v16 =	vld [tilespmem:s29+$0x10]  }
0xf6: {  	v17 =	vld [tilespmem:s30+$0x10];
	_ =	sdelay $0x3  }
0xf7: {  	v16 =	vshll.u32 v16, $0x1  }
0xf8: {  	[tilespmem:v12+s22+$0x0] =	vst.idx.msk $0xffff, v16;
	v16 =	vor.u32 $0x1, v16  }
0xf9: {  	[tilespmem:v13+s22+$0x0] =	vst.idx.msk $0xffff, v16;
	v16 =	vshll.u32 v17, $0x1  }
0xfa: {  	[tilespmem:v12+s23+$0x0] =	vst.idx.msk $0xffff, v16;
	v16 =	vor.u32 $0x1, v16  }
0xfb: {  	[tilespmem:v13+s23+$0x0] =	vst.idx.msk $0xffff, v16  }
0xfc: {  	[tilespmem:s17], [sflag:$0x1] =	stream.indirect.gather [hbm4b:s0+s24], $0x80, s22, s24, $0xb8;
	[tilespmem:$0x1EFC0] =	vst v63  }
0xfd: {  	_ =	swait.ge [sflag:s21], $0x4000  }
.Ltmp7:
0xfe: {  	[sflag:s21] =	ssyncset.done $0x0;
	(pc) =	sbr.rel @p1 .LBB2_9-.Ltmp7, $4  }
0xff: {  	[sflag:s21] =	ssyncadd.s32 $0xFFFFC000  }
0x100: {  	[spmem:s1] =	stream.indirect.scatter.add.f32 [tilespmem:s17], [sflag:$0x2], $0x80, s23, s24, $0xb8;
	[tilespmem:$0x1EFC0] =	vst v63  }
0x101: {  	_ =	swait.ge [sflag:s18], $0x4000  }
0x102: {  	[sflag:s18] =	ssyncset.done $0x0  }
.Ltmp8:
0x103: {  	_ = 	snop;
	(pc) =	sbr.rel .LBB2_10-.Ltmp8, $1  }
0x104: {  	_ =	sdelay $0x3  }
.LBB2_12:
0x105: {  	_ =	sfence.sel $0x180000  }
0x106: {  	[bflag:$0x0] =	sbarrier.arrive $0xFFFF  }
0x107: {  	_ =	strace $0x90000047  }
0x108: {  	s0 =	sadd.s32 @!p0 $0x100000, s2;
	[bflag:$0x2] =	sbarrier.arrive $0xFFFF  }
0x109: {  	[sflag:s0] =	ssyncadd.tile.s32 @!p0 $0x1;
	_ =	shalt  }
.Lfunc_end2:
_tile_overlayer_lowered:
.L_overlay_start_2:
0x10a: {  	(tag) =	ssettag $0x2  }
0x10b: {  	s0 =	rddreg [dreg:$0x0];
	s2 =	stileid.u32  }
0x10c: {  	s1 =	rddreg [dreg:$0x1];
	p0 =	sne.s32 s2, $0x0  }
0x10d: {  	s3 =	rddreg [dreg:$0x2];
	[bflag:$0x3] =	sbarrier.arrive $0xFFFF;
	s2 =	simm.s32 @!p0 $0x1C02  }
0x10e: {  	[timem:s3], [sflag:s2] =	dma.local @!p0 [hbm:s0], s1  }
0x10f: {  	s0 =	simm.s32 @!p0 $0x2  }
0x110: {  	_ =	swait.ge @!p0 [sflag:s0], s1  }
0x111: {  	s1 =	ssub.s32 @!p0 $0x0, s1;
	[sflag:s0] =	ssyncset.done @!p0 $0x0  }
0x112: {  	[sflag:s0] =	ssyncadd.s32 @!p0 s1  }
0x113: {  	[bflag:$0x3] =	sbarrier.arrive $0xFFFF  }
0x114: {  	_ =	shalt  }

</sc_bundles>
